<compile_context>
chip_gen: v7x
topology: tpu7x:2x2x1
jax: 0.10.2.dev20260603
libtpu: 0.0.44.dev20260713+nightly
codegen_flags: <defaults>
</compile_context>

<pallas_src>
import functools

import jax
import jax.numpy as jnp
from jax import lax
from jax.experimental import pallas as pl
from jax.experimental.pallas import tpu as pltpu
from jax.experimental.pallas import tpu_sc as plsc

MAX_PATH_LEN = 5
EDGE_FEAT_DIM = 128
NUM_HEADS = 32
N_NODES = 256
N_EDGES = 4096
B = N_NODES * N_NODES
P = 4224
PR = P * NUM_HEADS // 128
ER = N_EDGES * NUM_HEADS // 128

NUM_CORES = 2
NUM_SUBCORES = 16
NW = NUM_CORES * NUM_SUBCORES
PAIRS_PER_W = B // NW
CHUNK = 128
NCHUNK = PAIRS_PER_W // CHUNK
OUT_ROWS = CHUNK * NUM_HEADS // 128


def _proj_body(ef4_ref, wblk_ref, out_ref):
    mm = lax.dot_general(ef4_ref[...], wblk_ref[0],
                         (((1,), (0,)), ((), ())),
                         preferred_element_type=jnp.float32)
    out_ref[0:ER, :] = mm
    out_ref[ER:PR, :] = jnp.zeros((PR - ER, 128), jnp.float32)


def _build_table(ef4, wblk):
    return pl.pallas_call(
        _proj_body,
        grid=(MAX_PATH_LEN,),
        in_specs=[
            pl.BlockSpec((ER, 4 * EDGE_FEAT_DIM), lambda l: (0, 0)),
            pl.BlockSpec((1, 4 * EDGE_FEAT_DIM, 128), lambda l: (l, 0, 0)),
        ],
        out_specs=pl.BlockSpec((PR, 128), lambda l: (l, 0)),
        out_shape=jax.ShapeDtypeStruct((MAX_PATH_LEN * PR, 128), jnp.float32),
    )(ef4, wblk)


@functools.partial(
    pl.kernel,
    out_type=jax.ShapeDtypeStruct((B * NUM_HEADS // 128, 128), jnp.float32),
    mesh=plsc.VectorSubcoreMesh(core_axis_name="c", subcore_axis_name="s"),
    compiler_params=pltpu.CompilerParams(use_tc_tiling_on_sc=False),
    scratch_types=[
        pltpu.VMEM((NCHUNK * MAX_PATH_LEN * CHUNK,), jnp.int32),
        pltpu.VMEM((MAX_PATH_LEN * CHUNK, NUM_HEADS), jnp.float32),
        pltpu.VMEM((MAX_PATH_LEN * CHUNK, NUM_HEADS), jnp.float32),
        pltpu.VMEM((OUT_ROWS, 128), jnp.float32),
        pltpu.VMEM((OUT_ROWS, 128), jnp.float32),
        pltpu.VMEM_SHARED((MAX_PATH_LEN * P, NUM_HEADS), jnp.float32),
        pltpu.SemaphoreType.DMA,
        pltpu.SemaphoreType.DMA,
        pltpu.SemaphoreType.DMA,
        pltpu.SemaphoreType.DMA,
    ],
)
def _gather_accum(table_hbm, idx_hbm, out_hbm, idx_v,
                  rows_a, rows_b, out_a, out_b, table_sp,
                  sem_a, sem_b, sem_oa, sem_ob):
    wid = lax.axis_index("s") * NUM_CORES + lax.axis_index("c")
    nidx = NCHUNK * MAX_PATH_LEN * CHUNK
    pltpu.sync_copy(idx_hbm.at[pl.ds(wid * nidx, nidx)], idx_v)
    out_base = wid * (PAIRS_PER_W * NUM_HEADS // 128)
    cidx = MAX_PATH_LEN * CHUNK
    pltpu.async_copy(table_hbm.at[idx_v.at[pl.ds(0, cidx)]], rows_a, sem_a)
    sid = lax.axis_index("s")
    srows = MAX_PATH_LEN * P // NUM_SUBCORES
    pltpu.sync_copy(table_hbm.at[pl.ds(sid * srows, srows)],
                    table_sp.at[pl.ds(sid * srows, srows)])
    plsc.subcore_barrier()

    def issue(c, rows_v, sem):
        pltpu.async_copy(table_sp.at[idx_v.at[pl.ds(c * cidx, cidx)]],
                         rows_v, sem)

    def drain(rows_v, sem):
        pltpu.make_async_copy(
            table_hbm.at[pl.ds(0, MAX_PATH_LEN * CHUNK)], rows_v, sem).wait()

    def drain_out(out_v, sem_o):
        pltpu.make_async_copy(
            out_v, out_hbm.at[pl.ds(out_base, OUT_ROWS)], sem_o).wait()

    def accum(c, rows_v, out_v, sem_o, not_first):
        @pl.when(not_first)
        def _():
            drain_out(out_v, sem_o)

        @plsc.parallel_loop(0, OUT_ROWS, unroll=4)
        def _(row):
            j0 = lax.shift_left(row, 2)
            for k in range(4):
                for h in range(NUM_HEADS // 16):
                    sl = pl.ds(h * 16, 16)
                    acc = rows_v[j0 + k, sl]
                    for l in range(1, MAX_PATH_LEN):
                        acc = acc + rows_v[l * CHUNK + j0 + k, sl]
                    out_v[row, pl.ds(k * 32 + h * 16, 16)] = acc

        pltpu.async_copy(out_v, out_hbm.at[pl.ds(out_base + c * OUT_ROWS,
                                                 OUT_ROWS)], sem_o)

    def body(t, carry):
        c0 = 2 * t
        issue(c0 + 1, rows_b, sem_b)
        drain(rows_a, sem_a)
        accum(c0, rows_a, out_a, sem_oa, t > 0)

        @pl.when(t < NCHUNK // 2 - 1)
        def _():
            issue(c0 + 2, rows_a, sem_a)

        drain(rows_b, sem_b)
        accum(c0 + 1, rows_b, out_b, sem_ob, t > 0)
        return carry

    lax.fori_loop(0, NCHUNK // 2, body, 0)
    drain_out(out_a, sem_oa)
    drain_out(out_b, sem_ob)


def kernel(shortest_paths, edge_feat, max_shortest_path_len, weight_embedding):
    mask = (jnp.arange(MAX_PATH_LEN)
            < jnp.minimum(MAX_PATH_LEN, max_shortest_path_len))
    w = weight_embedding[:MAX_PATH_LEN * NUM_HEADS].reshape(
        MAX_PATH_LEN, NUM_HEADS, EDGE_FEAT_DIM)
    w = w * mask.astype(w.dtype)[:, None, None]
    wblk = jax.vmap(
        lambda m: jnp.kron(jnp.eye(4, dtype=m.dtype), m.T))(w)
    ef4 = edge_feat.reshape(ER, 4 * EDGE_FEAT_DIM)

    table = _build_table(ef4, wblk).reshape(MAX_PATH_LEN * P, NUM_HEADS)

    sp = shortest_paths.reshape(B, MAX_PATH_LEN).astype(jnp.int32)
    idx = sp + (jnp.arange(MAX_PATH_LEN, dtype=jnp.int32) * P)[None, :]
    idx = (idx.reshape(NW, NCHUNK, CHUNK, MAX_PATH_LEN)
              .transpose(0, 1, 3, 2)
              .reshape(NW * NCHUNK * MAX_PATH_LEN * CHUNK))

    out = _gather_accum(table, idx)
    return out.reshape(N_NODES, N_NODES, NUM_HEADS)

# --- scband reference (transcript-rebuilt; emitter-appended) ---
"""Pipeline reference for scband-edge-encoding-82016695484635 (READ-ONLY COPY).

The authoritative reference and input builder live on the scoring server;
editing this copy changes nothing except your own understanding.
"""

import jax, jax.numpy as jnp
import numpy as np

MAX_PATH_LEN = 5
EDGE_FEAT_DIM = 128
NUM_HEADS = 32
N_NODES = 256
N_EDGES = 4096

def setup_inputs(seed: int = 0):
    key = jax.random.key(seed)
    k1, k2, k3 = jax.random.split(key, 3)
    shortest_paths = jax.random.randint(k1, (N_NODES, N_NODES, MAX_PATH_LEN), 0, N_EDGES + 1)
    edge_feat = jax.random.normal(k2, (N_EDGES, EDGE_FEAT_DIM), dtype=jnp.float32)
    weight_embedding = jax.random.normal(k3, ((MAX_PATH_LEN + 1) * NUM_HEADS, EDGE_FEAT_DIM), dtype=jnp.float32) * 0.02
    return {"shortest_paths": shortest_paths, "edge_feat": edge_feat, "max_shortest_path_len": 5, "weight_embedding": weight_embedding}

def reference(shortest_paths, edge_feat, max_shortest_path_len, weight_embedding):
    max_path_len = shortest_paths.shape[-1]
    path_mask = (jnp.arange(max_path_len) < jnp.minimum(max_path_len, max_shortest_path_len))
    tmp_shortest_paths = shortest_paths
    padded_edge_feat = jnp.concatenate([edge_feat, jnp.zeros((1, edge_feat.shape[-1]), dtype=edge_feat.dtype)], axis=0)
    edge_embedding = padded_edge_feat[tmp_shortest_paths]
    edge_embedding = edge_embedding * path_mask.astype(edge_embedding.dtype)[:, None]
    idx = jnp.arange(max_path_len * NUM_HEADS).reshape(max_path_len, NUM_HEADS)
    w = jnp.transpose(weight_embedding[idx], (0, 2, 1))
    edge_encoding = jnp.einsum('xyld,ldh->xyh', edge_embedding, w)
    return edge_encoding

if __name__ == "__main__":
    import jax
    _d = setup_inputs()
    print(jax.jit(kernel)(*tuple(_d.values())))

</pallas_src>

<mosaic_0001>
#map = affine_map<(d0, d1) -> (0, 0)>
#map1 = affine_map<(d0, d1) -> (0)>
module attributes {stable_mosaic.version = 14 : i64} {
  func.func @_gather_accum(%arg0: i32, %arg1: i32, %arg2: memref<21120x32xf32, #tpu.memory_space<hbm>>, %arg3: memref<327680xi32, #tpu.memory_space<hbm>>, %arg4: memref<16384x128xf32, #tpu.memory_space<hbm>>, %arg5: memref<10240xi32, #tpu.memory_space<vmem>>, %arg6: memref<640x32xf32, #tpu.memory_space<vmem>>, %arg7: memref<640x32xf32, #tpu.memory_space<vmem>>, %arg8: memref<32x128xf32, #tpu.memory_space<vmem>>, %arg9: memref<32x128xf32, #tpu.memory_space<vmem>>, %arg10: memref<21120x32xf32, #tpu.memory_space<vmem_shared>>, %arg11: memref<!tpu.dma_semaphore, #tpu.memory_space<semaphore_mem>>, %arg12: memref<!tpu.dma_semaphore, #tpu.memory_space<semaphore_mem>>, %arg13: memref<!tpu.dma_semaphore, #tpu.memory_space<semaphore_mem>>, %arg14: memref<!tpu.dma_semaphore, #tpu.memory_space<semaphore_mem>>) attributes {dimension_semantics = [#tpu.dimension_semantics<core_parallel>, #tpu.dimension_semantics<subcore_parallel>], iteration_bounds = array<i64: 2, 16>, scalar_prefetch = 0 : i64, scratch_operands = 10 : i64, tpu.core_type = #tpu.core_type<sc_vector_subcore>, window_params = [{transform_indices = #map}, {transform_indices = #map1}, {transform_indices = #map}]} {
    %mul3A = arith.constant 2 : i32
    %mul3A_0 = arith.muli %arg1, %mul3A : i32
    %add3A = arith.addi %mul3A_0, %arg0 : i32
    %mul3A_1 = arith.constant 10240 : i32
    %mul3A_2 = arith.muli %add3A, %mul3A_1 : i32
    "tpu.region"() ({
      %run_scoped3A = tpu.sem_alloc : memref<!tpu.dma_semaphore, #tpu.memory_space<semaphore_mem>>
      %dma_start3A_25 = tpu.memref_slice %arg3[%mul3A_2] : memref<327680xi32, #tpu.memory_space<hbm>> -> memref<10240xi32, #tpu.memory_space<hbm>>
      %dma_start3A_26 = tpu.memref_slice %arg3[%mul3A_2] : memref<327680xi32, #tpu.memory_space<hbm>> -> memref<10240xi32, #tpu.memory_space<hbm>>
      tpu.enqueue_dma source(%dma_start3A_26 : memref<10240xi32, #tpu.memory_space<hbm>>) target(%arg5 : memref<10240xi32, #tpu.memory_space<vmem>>) target_semaphore(%run_scoped3A : memref<!tpu.dma_semaphore, #tpu.memory_space<semaphore_mem>>)
      %dma_wait3A_27 = tpu.memref_slice %arg3[%mul3A_2] : memref<327680xi32, #tpu.memory_space<hbm>> -> memref<10240xi32, #tpu.memory_space<hbm>>
      %dma_wait3A_28 = tpu.memref_slice %arg3[%mul3A_2] : memref<327680xi32, #tpu.memory_space<hbm>> -> memref<10240xi32, #tpu.memory_space<hbm>>
      tpu.wait_dma2 semaphore(%run_scoped3A : memref<!tpu.dma_semaphore, #tpu.memory_space<semaphore_mem>>) src(%dma_wait3A_28 : memref<10240xi32, #tpu.memory_space<hbm>>) dst(%arg5 : memref<10240xi32, #tpu.memory_space<vmem>>)
      tpu.yield
    }) : () -> ()
    %mul3A_3 = arith.constant 512 : i32
    %mul3A_4 = arith.muli %add3A, %mul3A_3 : i32
    %dma_start3A = arith.constant 0 : i32
    %dma_start3A_5 = tpu.memref_slice %arg5[%dma_start3A] : memref<10240xi32, #tpu.memory_space<vmem>> -> memref<640xi32, #tpu.memory_space<vmem>>
    %dma_start3A_6 = arith.constant 0 : i32
    %dma_start3A_7 = arith.constant 0 : i32
    %dma_start3A_8 = tpu.memref_slice %arg2[%dma_start3A_6, %dma_start3A_7] : memref<21120x32xf32, #tpu.memory_space<hbm>> -> memref<21120x32xf32, #tpu.memory_space<hbm>>
    tpu.enqueue_indirect_dma source(%dma_start3A_8 : memref<21120x32xf32, #tpu.memory_space<hbm>>) target(%arg6 : memref<640x32xf32, #tpu.memory_space<vmem>>) offsets(%dma_start3A_5 : memref<640xi32, #tpu.memory_space<vmem>>) semaphore(%arg11 : memref<!tpu.dma_semaphore, #tpu.memory_space<semaphore_mem>>)
    %mul3A_9 = arith.constant 1320 : i32
    %mul3A_10 = arith.muli %arg1, %mul3A_9 : i32
    %mul3A_11 = arith.constant 1320 : i32
    %mul3A_12 = arith.muli %arg1, %mul3A_11 : i32
    "tpu.region"() ({
      %run_scoped3A = tpu.sem_alloc : memref<!tpu.dma_semaphore, #tpu.memory_space<semaphore_mem>>
      %dma_start3A_25 = arith.constant 0 : i32
      %dma_start3A_26 = tpu.memref_slice %arg10[%mul3A_12, %dma_start3A_25] : memref<21120x32xf32, #tpu.memory_space<vmem_shared>> -> memref<1320x32xf32, #tpu.memory_space<vmem_shared>>
      %dma_start3A_27 = arith.constant 0 : i32
      %dma_start3A_28 = tpu.memref_slice %arg2[%mul3A_10, %dma_start3A_27] : memref<21120x32xf32, #tpu.memory_space<hbm>> -> memref<1320x32xf32, #tpu.memory_space<hbm>>
      tpu.enqueue_dma source(%dma_start3A_28 : memref<1320x32xf32, #tpu.memory_space<hbm>>) target(%dma_start3A_26 : memref<1320x32xf32, #tpu.memory_space<vmem_shared>>) target_semaphore(%run_scoped3A : memref<!tpu.dma_semaphore, #tpu.memory_space<semaphore_mem>>)
      %dma_wait3A_29 = arith.constant 0 : i32
      %dma_wait3A_30 = tpu.memref_slice %arg10[%mul3A_12, %dma_wait3A_29] : memref<21120x32xf32, #tpu.memory_space<vmem_shared>> -> memref<1320x32xf32, #tpu.memory_space<vmem_shared>>
      %dma_wait3A_31 = arith.constant 0 : i32
      %dma_wait3A_32 = tpu.memref_slice %arg2[%mul3A_10, %dma_wait3A_31] : memref<21120x32xf32, #tpu.memory_space<hbm>> -> memref<1320x32xf32, #tpu.memory_space<hbm>>
      tpu.wait_dma2 semaphore(%run_scoped3A : memref<!tpu.dma_semaphore, #tpu.memory_space<semaphore_mem>>) src(%dma_wait3A_32 : memref<1320x32xf32, #tpu.memory_space<hbm>>) dst(%dma_wait3A_30 : memref<1320x32xf32, #tpu.memory_space<vmem_shared>>)
      tpu.yield
    }) : () -> ()
    %barrier3A = arith.constant 0 : index
    tpu.barrier barrier_id(%barrier3A)
    %scan3A = arith.constant 0 : i32
    %scan3A_13 = arith.constant 0 : i32
    %scan3A_14 = arith.constant 8 : i32
    %scan3A_15 = arith.addi %scan3A_13, %scan3A_14 : i32
    %scan3A_16 = arith.constant 1 : i32
    scf.for %scan3A_25 = %scan3A_13 to %scan3A_15 step %scan3A_16  : i32 {
      %mul3A_26 = arith.constant 2 : i32
      %mul3A_27 = arith.muli %mul3A_26, %scan3A_25 : i32
      %add3A_28 = arith.constant 1 : i32
      %add3A_29 = arith.addi %mul3A_27, %add3A_28 : i32
      %mul3A_30 = arith.constant 640 : i32
      %mul3A_31 = arith.muli %add3A_29, %mul3A_30 : i32
      %dma_start3A_32 = tpu.memref_slice %arg5[%mul3A_31] : memref<10240xi32, #tpu.memory_space<vmem>> -> memref<640xi32, #tpu.memory_space<vmem>>
      %dma_start3A_33 = arith.constant 0 : i32
      %dma_start3A_34 = arith.constant 0 : i32
      %dma_start3A_35 = tpu.memref_slice %arg10[%dma_start3A_33, %dma_start3A_34] : memref<21120x32xf32, #tpu.memory_space<vmem_shared>> -> memref<21120x32xf32, #tpu.memory_space<vmem_shared>>
      tpu.enqueue_indirect_dma source(%dma_start3A_35 : memref<21120x32xf32, #tpu.memory_space<vmem_shared>>) target(%arg7 : memref<640x32xf32, #tpu.memory_space<vmem>>) offsets(%dma_start3A_32 : memref<640xi32, #tpu.memory_space<vmem>>) semaphore(%arg12 : memref<!tpu.dma_semaphore, #tpu.memory_space<semaphore_mem>>)
      %dma_wait3A_36 = arith.constant 0 : i32
      %dma_wait3A_37 = arith.constant 0 : i32
      %dma_wait3A_38 = tpu.memref_slice %arg2[%dma_wait3A_36, %dma_wait3A_37] : memref<21120x32xf32, #tpu.memory_space<hbm>> -> memref<640x32xf32, #tpu.memory_space<hbm>>
      %dma_wait3A_39 = arith.constant 0 : i32
      %dma_wait3A_40 = arith.constant 0 : i32
      %dma_wait3A_41 = tpu.memref_slice %arg2[%dma_wait3A_39, %dma_wait3A_40] : memref<21120x32xf32, #tpu.memory_space<hbm>> -> memref<640x32xf32, #tpu.memory_space<hbm>>
      tpu.wait_dma2 semaphore(%arg11 : memref<!tpu.dma_semaphore, #tpu.memory_space<semaphore_mem>>) src(%dma_wait3A_41 : memref<640x32xf32, #tpu.memory_space<hbm>>) dst(%arg6 : memref<640x32xf32, #tpu.memory_space<vmem>>)
      %gt3A = arith.constant 0 : i32
      %gt3A_42 = arith.cmpi sgt, %scan3A_25, %gt3A : i32
      %convert_element_type3A = arith.extui %gt3A_42 : i1 to i32
      %cond3A = arith.constant 0 : i32
      %cond3A_43 = arith.cmpi ne, %convert_element_type3A, %cond3A : i32
      scf.if %cond3A_43 {
        %dma_wait3A_80 = arith.constant 0 : i32
        %dma_wait3A_81 = tpu.memref_slice %arg4[%mul3A_4, %dma_wait3A_80] : memref<16384x128xf32, #tpu.memory_space<hbm>> -> memref<32x128xf32, #tpu.memory_space<hbm>>
        %dma_wait3A_82 = arith.constant 0 : i32
        %dma_wait3A_83 = tpu.memref_slice %arg4[%mul3A_4, %dma_wait3A_82] : memref<16384x128xf32, #tpu.memory_space<hbm>> -> memref<32x128xf32, #tpu.memory_space<hbm>>
        tpu.wait_dma2 semaphore(%arg13 : memref<!tpu.dma_semaphore, #tpu.memory_space<semaphore_mem>>) src(%arg8 : memref<32x128xf32, #tpu.memory_space<vmem>>) dst(%dma_wait3A_83 : memref<32x128xf32, #tpu.memory_space<hbm>>)
      } else {
      }
      %parallel_loop3A = arith.constant 0 : i32
      %parallel_loop3A_44 = arith.constant 32 : i32
      %parallel_loop3A_45 = arith.constant 1 : i32
      scf.for %parallel_loop3A_80 = %parallel_loop3A to %parallel_loop3A_44 step %parallel_loop3A_45  : i32 {
        %parallel_loop3A_81 = arith.constant 2 : i32
        %parallel_loop3A_82 = arith.shli %parallel_loop3A_80, %parallel_loop3A_81 : i32
        %parallel_loop3A_83 = arith.constant 0 : i32
        %parallel_loop3A_84 = arith.addi %parallel_loop3A_82, %parallel_loop3A_83 : i32
        %parallel_loop3A_85 = arith.index_cast %parallel_loop3A_84 : i32 to index
        %parallel_loop3A_86 = arith.constant 0 : index
        %parallel_loop3A_87 = tpu.vector_load %arg6[%parallel_loop3A_85, %parallel_loop3A_86] {strides = array<i32>} : memref<640x32xf32, #tpu.memory_space<vmem>>, vector<1x16xf32>,
        %parallel_loop3A_88 = vector.shape_cast %parallel_loop3A_87 : vector<1x16xf32> to vector<16xf32>
        %parallel_loop3A_89 = arith.constant 128 : i32
        %parallel_loop3A_90 = arith.addi %parallel_loop3A_89, %parallel_loop3A_82 : i32
        %parallel_loop3A_91 = arith.constant 0 : i32
        %parallel_loop3A_92 = arith.addi %parallel_loop3A_90, %parallel_loop3A_91 : i32
        %parallel_loop3A_93 = arith.index_cast %parallel_loop3A_92 : i32 to index
        %parallel_loop3A_94 = arith.constant 0 : index
        %parallel_loop3A_95 = tpu.vector_load %arg6[%parallel_loop3A_93, %parallel_loop3A_94] {strides = array<i32>} : memref<640x32xf32, #tpu.memory_space<vmem>>, vector<1x16xf32>,
        %parallel_loop3A_96 = vector.shape_cast %parallel_loop3A_95 : vector<1x16xf32> to vector<16xf32>
        %parallel_loop3A_97 = arith.addf %parallel_loop3A_88, %parallel_loop3A_96 : vector<16xf32>
        %parallel_loop3A_98 = arith.constant 256 : i32
        %parallel_loop3A_99 = arith.addi %parallel_loop3A_98, %parallel_loop3A_82 : i32
        %parallel_loop3A_100 = arith.constant 0 : i32
        %parallel_loop3A_101 = arith.addi %parallel_loop3A_99, %parallel_loop3A_100 : i32
        %parallel_loop3A_102 = arith.index_cast %parallel_loop3A_101 : i32 to index
        %parallel_loop3A_103 = arith.constant 0 : index
        %parallel_loop3A_104 = tpu.vector_load %arg6[%parallel_loop3A_102, %parallel_loop3A_103] {strides = array<i32>} : memref<640x32xf32, #tpu.memory_space<vmem>>, vector<1x16xf32>,
        %parallel_loop3A_105 = vector.shape_cast %parallel_loop3A_104 : vector<1x16xf32> to vector<16xf32>
        %parallel_loop3A_106 = arith.addf %parallel_loop3A_97, %parallel_loop3A_105 : vector<16xf32>
        %parallel_loop3A_107 = arith.constant 384 : i32
        %parallel_loop3A_108 = arith.addi %parallel_loop3A_107, %parallel_loop3A_82 : i32
        %parallel_loop3A_109 = arith.constant 0 : i32
        %parallel_loop3A_110 = arith.addi %parallel_loop3A_108, %parallel_loop3A_109 : i32
        %parallel_loop3A_111 = arith.index_cast %parallel_loop3A_110 : i32 to index
        %parallel_loop3A_112 = arith.constant 0 : index
        %parallel_loop3A_113 = tpu.vector_load %arg6[%parallel_loop3A_111, %parallel_loop3A_112] {strides = array<i32>} : memref<640x32xf32, #tpu.memory_space<vmem>>, vector<1x16xf32>,
        %parallel_loop3A_114 = vector.shape_cast %parallel_loop3A_113 : vector<1x16xf32> to vector<16xf32>
        %parallel_loop3A_115 = arith.addf %parallel_loop3A_106, %parallel_loop3A_114 : vector<16xf32>
        %parallel_loop3A_116 = arith.constant 512 : i32
        %parallel_loop3A_117 = arith.addi %parallel_loop3A_116, %parallel_loop3A_82 : i32
        %parallel_loop3A_118 = arith.constant 0 : i32
        %parallel_loop3A_119 = arith.addi %parallel_loop3A_117, %parallel_loop3A_118 : i32
        %parallel_loop3A_120 = arith.index_cast %parallel_loop3A_119 : i32 to index
        %parallel_loop3A_121 = arith.constant 0 : index
        %parallel_loop3A_122 = tpu.vector_load %arg6[%parallel_loop3A_120, %parallel_loop3A_121] {strides = array<i32>} : memref<640x32xf32, #tpu.memory_space<vmem>>, vector<1x16xf32>,
        %parallel_loop3A_123 = vector.shape_cast %parallel_loop3A_122 : vector<1x16xf32> to vector<16xf32>
        %parallel_loop3A_124 = arith.addf %parallel_loop3A_115, %parallel_loop3A_123 : vector<16xf32>
        %parallel_loop3A_125 = arith.index_cast %parallel_loop3A_80 : i32 to index
        %parallel_loop3A_126 = arith.constant 0 : index
        %parallel_loop3A_127 = tpu.vector_load %arg8[%parallel_loop3A_125, %parallel_loop3A_126] {strides = array<i32>} : memref<32x128xf32, #tpu.memory_space<vmem>>, vector<1x16xf32>,
        %parallel_loop3A_128 = vector.shape_cast %parallel_loop3A_127 : vector<1x16xf32> to vector<16xf32>
        %parallel_loop3A_129 = vector.shape_cast %parallel_loop3A_124 : vector<16xf32> to vector<1x16xf32>
        tpu.vector_store %arg8[%parallel_loop3A_125, %parallel_loop3A_126], %parallel_loop3A_129 {strides = array<i32>} : memref<32x128xf32, #tpu.memory_space<vmem>>, vector<1x16xf32>,
        %parallel_loop3A_130 = arith.constant 0 : i32
        %parallel_loop3A_131 = arith.addi %parallel_loop3A_82, %parallel_loop3A_130 : i32
        %parallel_loop3A_132 = arith.index_cast %parallel_loop3A_131 : i32 to index
        %parallel_loop3A_133 = arith.constant 16 : index
        %parallel_loop3A_134 = tpu.vector_load %arg6[%parallel_loop3A_132, %parallel_loop3A_133] {strides = array<i32>} : memref<640x32xf32, #tpu.memory_space<vmem>>, vector<1x16xf32>,
        %parallel_loop3A_135 = vector.shape_cast %parallel_loop3A_134 : vector<1x16xf32> to vector<16xf32>
        %parallel_loop3A_136 = arith.constant 128 : i32
        %parallel_loop3A_137 = arith.addi %parallel_loop3A_136, %parallel_loop3A_82 : i32
        %parallel_loop3A_138 = arith.constant 0 : i32
        %parallel_loop3A_139 = arith.addi %parallel_loop3A_137, %parallel_loop3A_138 : i32
        %parallel_loop3A_140 = arith.index_cast %parallel_loop3A_139 : i32 to index
        %parallel_loop3A_141 = arith.constant 16 : index
        %parallel_loop3A_142 = tpu.vector_load %arg6[%parallel_loop3A_140, %parallel_loop3A_141] {strides = array<i32>} : memref<640x32xf32, #tpu.memory_space<vmem>>, vector<1x16xf32>,
        %parallel_loop3A_143 = vector.shape_cast %parallel_loop3A_142 : vector<1x16xf32> to vector<16xf32>
        %parallel_loop3A_144 = arith.addf %parallel_loop3A_135, %parallel_loop3A_143 : vector<16xf32>
        %parallel_loop3A_145 = arith.constant 256 : i32
        %parallel_loop3A_146 = arith.addi %parallel_loop3A_145, %parallel_loop3A_82 : i32
        %parallel_loop3A_147 = arith.constant 0 : i32
        %parallel_loop3A_148 = arith.addi %parallel_loop3A_146, %parallel_loop3A_147 : i32
        %parallel_loop3A_149 = arith.index_cast %parallel_loop3A_148 : i32 to index
        %parallel_loop3A_150 = arith.constant 16 : index
        %parallel_loop3A_151 = tpu.vector_load %arg6[%parallel_loop3A_149, %parallel_loop3A_150] {strides = array<i32>} : memref<640x32xf32, #tpu.memory_space<vmem>>, vector<1x16xf32>,
        %parallel_loop3A_152 = vector.shape_cast %parallel_loop3A_151 : vector<1x16xf32> to vector<16xf32>
        %parallel_loop3A_153 = arith.addf %parallel_loop3A_144, %parallel_loop3A_152 : vector<16xf32>
        %parallel_loop3A_154 = arith.constant 384 : i32
        %parallel_loop3A_155 = arith.addi %parallel_loop3A_154, %parallel_loop3A_82 : i32
        %parallel_loop3A_156 = arith.constant 0 : i32
        %parallel_loop3A_157 = arith.addi %parallel_loop3A_155, %parallel_loop3A_156 : i32
        %parallel_loop3A_158 = arith.index_cast %parallel_loop3A_157 : i32 to index
        %parallel_loop3A_159 = arith.constant 16 : index
        %parallel_loop3A_160 = tpu.vector_load %arg6[%parallel_loop3A_158, %parallel_loop3A_159] {strides = array<i32>} : memref<640x32xf32, #tpu.memory_space<vmem>>, vector<1x16xf32>,
        %parallel_loop3A_161 = vector.shape_cast %parallel_loop3A_160 : vector<1x16xf32> to vector<16xf32>
        %parallel_loop3A_162 = arith.addf %parallel_loop3A_153, %parallel_loop3A_161 : vector<16xf32>
        %parallel_loop3A_163 = arith.constant 512 : i32
        %parallel_loop3A_164 = arith.addi %parallel_loop3A_163, %parallel_loop3A_82 : i32
        %parallel_loop3A_165 = arith.constant 0 : i32
        %parallel_loop3A_166 = arith.addi %parallel_loop3A_164, %parallel_loop3A_165 : i32
        %parallel_loop3A_167 = arith.index_cast %parallel_loop3A_166 : i32 to index
        %parallel_loop3A_168 = arith.constant 16 : index
        %parallel_loop3A_169 = tpu.vector_load %arg6[%parallel_loop3A_167, %parallel_loop3A_168] {strides = array<i32>} : memref<640x32xf32, #tpu.memory_space<vmem>>, vector<1x16xf32>,
        %parallel_loop3A_170 = vector.shape_cast %parallel_loop3A_169 : vector<1x16xf32> to vector<16xf32>
        %parallel_loop3A_171 = arith.addf %parallel_loop3A_162, %parallel_loop3A_170 : vector<16xf32>
        %parallel_loop3A_172 = arith.index_cast %parallel_loop3A_80 : i32 to index
        %parallel_loop3A_173 = arith.constant 16 : index
        %parallel_loop3A_174 = tpu.vector_load %arg8[%parallel_loop3A_172, %parallel_loop3A_173] {strides = array<i32>} : memref<32x128xf32, #tpu.memory_space<vmem>>, vector<1x16xf32>,
        %parallel_loop3A_175 = vector.shape_cast %parallel_loop3A_174 : vector<1x16xf32> to vector<16xf32>
        %parallel_loop3A_176 = vector.shape_cast %parallel_loop3A_171 : vector<16xf32> to vector<1x16xf32>
        tpu.vector_store %arg8[%parallel_loop3A_172, %parallel_loop3A_173], %parallel_loop3A_176 {strides = array<i32>} : memref<32x128xf32, #tpu.memory_space<vmem>>, vector<1x16xf32>,
        %parallel_loop3A_177 = arith.constant 1 : i32
        %parallel_loop3A_178 = arith.addi %parallel_loop3A_82, %parallel_loop3A_177 : i32
        %parallel_loop3A_179 = arith.index_cast %parallel_loop3A_178 : i32 to index
        %parallel_loop3A_180 = arith.constant 0 : index
        %parallel_loop3A_181 = tpu.vector_load %arg6[%parallel_loop3A_179, %parallel_loop3A_180] {strides = array<i32>} : memref<640x32xf32, #tpu.memory_space<vmem>>, vector<1x16xf32>,
        %parallel_loop3A_182 = vector.shape_cast %parallel_loop3A_181 : vector<1x16xf32> to vector<16xf32>
        %parallel_loop3A_183 = arith.constant 128 : i32
        %parallel_loop3A_184 = arith.addi %parallel_loop3A_183, %parallel_loop3A_82 : i32
        %parallel_loop3A_185 = arith.constant 1 : i32
        %parallel_loop3A_186 = arith.addi %parallel_loop3A_184, %parallel_loop3A_185 : i32
        %parallel_loop3A_187 = arith.index_cast %parallel_loop3A_186 : i32 to index
        %parallel_loop3A_188 = arith.constant 0 : index
        %parallel_loop3A_189 = tpu.vector_load %arg6[%parallel_loop3A_187, %parallel_loop3A_188] {strides = array<i32>} : memref<640x32xf32, #tpu.memory_space<vmem>>, vector<1x16xf32>,
        %parallel_loop3A_190 = vector.shape_cast %parallel_loop3A_189 : vector<1x16xf32> to vector<16xf32>
        %parallel_loop3A_191 = arith.addf %parallel_loop3A_182, %parallel_loop3A_190 : vector<16xf32>
        %parallel_loop3A_192 = arith.constant 256 : i32
        %parallel_loop3A_193 = arith.addi %parallel_loop3A_192, %parallel_loop3A_82 : i32
        %parallel_loop3A_194 = arith.constant 1 : i32
        %parallel_loop3A_195 = arith.addi %parallel_loop3A_193, %parallel_loop3A_194 : i32
        %parallel_loop3A_196 = arith.index_cast %parallel_loop3A_195 : i32 to index
        %parallel_loop3A_197 = arith.constant 0 : index
        %parallel_loop3A_198 = tpu.vector_load %arg6[%parallel_loop3A_196, %parallel_loop3A_197] {strides = array<i32>} : memref<640x32xf32, #tpu.memory_space<vmem>>, vector<1x16xf32>,
        %parallel_loop3A_199 = vector.shape_cast %parallel_loop3A_198 : vector<1x16xf32> to vector<16xf32>
        %parallel_loop3A_200 = arith.addf %parallel_loop3A_191, %parallel_loop3A_199 : vector<16xf32>
        %parallel_loop3A_201 = arith.constant 384 : i32
        %parallel_loop3A_202 = arith.addi %parallel_loop3A_201, %parallel_loop3A_82 : i32
        %parallel_loop3A_203 = arith.constant 1 : i32
        %parallel_loop3A_204 = arith.addi %parallel_loop3A_202, %parallel_loop3A_203 : i32
        %parallel_loop3A_205 = arith.index_cast %parallel_loop3A_204 : i32 to index
        %parallel_loop3A_206 = arith.constant 0 : index
        %parallel_loop3A_207 = tpu.vector_load %arg6[%parallel_loop3A_205, %parallel_loop3A_206] {strides = array<i32>} : memref<640x32xf32, #tpu.memory_space<vmem>>, vector<1x16xf32>,
        %parallel_loop3A_208 = vector.shape_cast %parallel_loop3A_207 : vector<1x16xf32> to vector<16xf32>
        %parallel_loop3A_209 = arith.addf %parallel_loop3A_200, %parallel_loop3A_208 : vector<16xf32>
        %parallel_loop3A_210 = arith.constant 512 : i32
        %parallel_loop3A_211 = arith.addi %parallel_loop3A_210, %parallel_loop3A_82 : i32
        %parallel_loop3A_212 = arith.constant 1 : i32
        %parallel_loop3A_213 = arith.addi %parallel_loop3A_211, %parallel_loop3A_212 : i32
        %parallel_loop3A_214 = arith.index_cast %parallel_loop3A_213 : i32 to index
        %parallel_loop3A_215 = arith.constant 0 : index
        %parallel_loop3A_216 = tpu.vector_load %arg6[%parallel_loop3A_214, %parallel_loop3A_215] {strides = array<i32>} : memref<640x32xf32, #tpu.memory_space<vmem>>, vector<1x16xf32>,
        %parallel_loop3A_217 = vector.shape_cast %parallel_loop3A_216 : vector<1x16xf32> to vector<16xf32>
        %parallel_loop3A_218 = arith.addf %parallel_loop3A_209, %parallel_loop3A_217 : vector<16xf32>
        %parallel_loop3A_219 = arith.index_cast %parallel_loop3A_80 : i32 to index
        %parallel_loop3A_220 = arith.constant 32 : index
        %parallel_loop3A_221 = tpu.vector_load %arg8[%parallel_loop3A_219, %parallel_loop3A_220] {strides = array<i32>} : memref<32x128xf32, #tpu.memory_space<vmem>>, vector<1x16xf32>,
        %parallel_loop3A_222 = vector.shape_cast %parallel_loop3A_221 : vector<1x16xf32> to vector<16xf32>
        %parallel_loop3A_223 = vector.shape_cast %parallel_loop3A_218 : vector<16xf32> to vector<1x16xf32>
        tpu.vector_store %arg8[%parallel_loop3A_219, %parallel_loop3A_220], %parallel_loop3A_223 {strides = array<i32>} : memref<32x128xf32, #tpu.memory_space<vmem>>, vector<1x16xf32>,
        %parallel_loop3A_224 = arith.constant 1 : i32
        %parallel_loop3A_225 = arith.addi %parallel_loop3A_82, %parallel_loop3A_224 : i32
        %parallel_loop3A_226 = arith.index_cast %parallel_loop3A_225 : i32 to index
        %parallel_loop3A_227 = arith.constant 16 : index
        %parallel_loop3A_228 = tpu.vector_load %arg6[%parallel_loop3A_226, %parallel_loop3A_227] {strides = array<i32>} : memref<640x32xf32, #tpu.memory_space<vmem>>, vector<1x16xf32>,
        %parallel_loop3A_229 = vector.shape_cast %parallel_loop3A_228 : vector<1x16xf32> to vector<16xf32>
        %parallel_loop3A_230 = arith.constant 128 : i32
        %parallel_loop3A_231 = arith.addi %parallel_loop3A_230, %parallel_loop3A_82 : i32
        %parallel_loop3A_232 = arith.constant 1 : i32
        %parallel_loop3A_233 = arith.addi %parallel_loop3A_231, %parallel_loop3A_232 : i32
        %parallel_loop3A_234 = arith.index_cast %parallel_loop3A_233 : i32 to index
        %parallel_loop3A_235 = arith.constant 16 : index
        %parallel_loop3A_236 = tpu.vector_load %arg6[%parallel_loop3A_234, %parallel_loop3A_235] {strides = array<i32>} : memref<640x32xf32, #tpu.memory_space<vmem>>, vector<1x16xf32>,
        %parallel_loop3A_237 = vector.shape_cast %parallel_loop3A_236 : vector<1x16xf32> to vector<16xf32>
        %parallel_loop3A_238 = arith.addf %parallel_loop3A_229, %parallel_loop3A_237 : vector<16xf32>
        %parallel_loop3A_239 = arith.constant 256 : i32
        %parallel_loop3A_240 = arith.addi %parallel_loop3A_239, %parallel_loop3A_82 : i32
        %parallel_loop3A_241 = arith.constant 1 : i32
        %parallel_loop3A_242 = arith.addi %parallel_loop3A_240, %parallel_loop3A_241 : i32
        %parallel_loop3A_243 = arith.index_cast %parallel_loop3A_242 : i32 to index
        %parallel_loop3A_244 = arith.constant 16 : index
        %parallel_loop3A_245 = tpu.vector_load %arg6[%parallel_loop3A_243, %parallel_loop3A_244] {strides = array<i32>} : memref<640x32xf32, #tpu.memory_space<vmem>>, vector<1x16xf32>,
        %parallel_loop3A_246 = vector.shape_cast %parallel_loop3A_245 : vector<1x16xf32> to vector<16xf32>
        %parallel_loop3A_247 = arith.addf %parallel_loop3A_238, %parallel_loop3A_246 : vector<16xf32>
        %parallel_loop3A_248 = arith.constant 384 : i32
        %parallel_loop3A_249 = arith.addi %parallel_loop3A_248, %parallel_loop3A_82 : i32
        %parallel_loop3A_250 = arith.constant 1 : i32
        %parallel_loop3A_251 = arith.addi %parallel_loop3A_249, %parallel_loop3A_250 : i32
        %parallel_loop3A_252 = arith.index_cast %parallel_loop3A_251 : i32 to index
        %parallel_loop3A_253 = arith.constant 16 : index
        %parallel_loop3A_254 = tpu.vector_load %arg6[%parallel_loop3A_252, %parallel_loop3A_253] {strides = array<i32>} : memref<640x32xf32, #tpu.memory_space<vmem>>, vector<1x16xf32>,
        %parallel_loop3A_255 = vector.shape_cast %parallel_loop3A_254 : vector<1x16xf32> to vector<16xf32>
        %parallel_loop3A_256 = arith.addf %parallel_loop3A_247, %parallel_loop3A_255 : vector<16xf32>
        %parallel_loop3A_257 = arith.constant 512 : i32
        %parallel_loop3A_258 = arith.addi %parallel_loop3A_257, %parallel_loop3A_82 : i32
        %parallel_loop3A_259 = arith.constant 1 : i32
        %parallel_loop3A_260 = arith.addi %parallel_loop3A_258, %parallel_loop3A_259 : i32
        %parallel_loop3A_261 = arith.index_cast %parallel_loop3A_260 : i32 to index
        %parallel_loop3A_262 = arith.constant 16 : index
        %parallel_loop3A_263 = tpu.vector_load %arg6[%parallel_loop3A_261, %parallel_loop3A_262] {strides = array<i32>} : memref<640x32xf32, #tpu.memory_space<vmem>>, vector<1x16xf32>,
        %parallel_loop3A_264 = vector.shape_cast %parallel_loop3A_263 : vector<1x16xf32> to vector<16xf32>
        %parallel_loop3A_265 = arith.addf %parallel_loop3A_256, %parallel_loop3A_264 : vector<16xf32>
        %parallel_loop3A_266 = arith.index_cast %parallel_loop3A_80 : i32 to index
        %parallel_loop3A_267 = arith.constant 48 : index
        %parallel_loop3A_268 = tpu.vector_load %arg8[%parallel_loop3A_266, %parallel_loop3A_267] {strides = array<i32>} : memref<32x128xf32, #tpu.memory_space<vmem>>, vector<1x16xf32>,
        %parallel_loop3A_269 = vector.shape_cast %parallel_loop3A_268 : vector<1x16xf32> to vector<16xf32>
        %parallel_loop3A_270 = vector.shape_cast %parallel_loop3A_265 : vector<16xf32> to vector<1x16xf32>
        tpu.vector_store %arg8[%parallel_loop3A_266, %parallel_loop3A_267], %parallel_loop3A_270 {strides = array<i32>} : memref<32x128xf32, #tpu.memory_space<vmem>>, vector<1x16xf32>,
        %parallel_loop3A_271 = arith.constant 2 : i32
        %parallel_loop3A_272 = arith.addi %parallel_loop3A_82, %parallel_loop3A_271 : i32
        %parallel_loop3A_273 = arith.index_cast %parallel_loop3A_272 : i32 to index
        %parallel_loop3A_274 = arith.constant 0 : index
        %parallel_loop3A_275 = tpu.vector_load %arg6[%parallel_loop3A_273, %parallel_loop3A_274] {strides = array<i32>} : memref<640x32xf32, #tpu.memory_space<vmem>>, vector<1x16xf32>,
        %parallel_loop3A_276 = vector.shape_cast %parallel_loop3A_275 : vector<1x16xf32> to vector<16xf32>
        %parallel_loop3A_277 = arith.constant 128 : i32
        %parallel_loop3A_278 = arith.addi %parallel_loop3A_277, %parallel_loop3A_82 : i32
        %parallel_loop3A_279 = arith.constant 2 : i32
        %parallel_loop3A_280 = arith.addi %parallel_loop3A_278, %parallel_loop3A_279 : i32
        %parallel_loop3A_281 = arith.index_cast %parallel_loop3A_280 : i32 to index
        %parallel_loop3A_282 = arith.constant 0 : index
        %parallel_loop3A_283 = tpu.vector_load %arg6[%parallel_loop3A_281, %parallel_loop3A_282] {strides = array<i32>} : memref<640x32xf32, #tpu.memory_space<vmem>>, vector<1x16xf32>,
        %parallel_loop3A_284 = vector.shape_cast %parallel_loop3A_283 : vector<1x16xf32> to vector<16xf32>
        %parallel_loop3A_285 = arith.addf %parallel_loop3A_276, %parallel_loop3A_284 : vector<16xf32>
        %parallel_loop3A_286 = arith.constant 256 : i32
        %parallel_loop3A_287 = arith.addi %parallel_loop3A_286, %parallel_loop3A_82 : i32
        %parallel_loop3A_288 = arith.constant 2 : i32
        %parallel_loop3A_289 = arith.addi %parallel_loop3A_287, %parallel_loop3A_288 : i32
        %parallel_loop3A_290 = arith.index_cast %parallel_loop3A_289 : i32 to index
        %parallel_loop3A_291 = arith.constant 0 : index
        %parallel_loop3A_292 = tpu.vector_load %arg6[%parallel_loop3A_290, %parallel_loop3A_291] {strides = array<i32>} : memref<640x32xf32, #tpu.memory_space<vmem>>, vector<1x16xf32>,
        %parallel_loop3A_293 = vector.shape_cast %parallel_loop3A_292 : vector<1x16xf32> to vector<16xf32>
        %parallel_loop3A_294 = arith.addf %parallel_loop3A_285, %parallel_loop3A_293 : vector<16xf32>
        %parallel_loop3A_295 = arith.constant 384 : i32
        %parallel_loop3A_296 = arith.addi %parallel_loop3A_295, %parallel_loop3A_82 : i32
        %parallel_loop3A_297 = arith.constant 2 : i32
        %parallel_loop3A_298 = arith.addi %parallel_loop3A_296, %parallel_loop3A_297 : i32
        %parallel_loop3A_299 = arith.index_cast %parallel_loop3A_298 : i32 to index
        %parallel_loop3A_300 = arith.constant 0 : index
        %parallel_loop3A_301 = tpu.vector_load %arg6[%parallel_loop3A_299, %parallel_loop3A_300] {strides = array<i32>} : memref<640x32xf32, #tpu.memory_space<vmem>>, vector<1x16xf32>,
        %parallel_loop3A_302 = vector.shape_cast %parallel_loop3A_301 : vector<1x16xf32> to vector<16xf32>
        %parallel_loop3A_303 = arith.addf %parallel_loop3A_294, %parallel_loop3A_302 : vector<16xf32>
        %parallel_loop3A_304 = arith.constant 512 : i32
        %parallel_loop3A_305 = arith.addi %parallel_loop3A_304, %parallel_loop3A_82 : i32
        %parallel_loop3A_306 = arith.constant 2 : i32
        %parallel_loop3A_307 = arith.addi %parallel_loop3A_305, %parallel_loop3A_306 : i32
        %parallel_loop3A_308 = arith.index_cast %parallel_loop3A_307 : i32 to index
        %parallel_loop3A_309 = arith.constant 0 : index
        %parallel_loop3A_310 = tpu.vector_load %arg6[%parallel_loop3A_308, %parallel_loop3A_309] {strides = array<i32>} : memref<640x32xf32, #tpu.memory_space<vmem>>, vector<1x16xf32>,
        %parallel_loop3A_311 = vector.shape_cast %parallel_loop3A_310 : vector<1x16xf32> to vector<16xf32>
        %parallel_loop3A_312 = arith.addf %parallel_loop3A_303, %parallel_loop3A_311 : vector<16xf32>
        %parallel_loop3A_313 = arith.index_cast %parallel_loop3A_80 : i32 to index
        %parallel_loop3A_314 = arith.constant 64 : index
        %parallel_loop3A_315 = tpu.vector_load %arg8[%parallel_loop3A_313, %parallel_loop3A_314] {strides = array<i32>} : memref<32x128xf32, #tpu.memory_space<vmem>>, vector<1x16xf32>,
        %parallel_loop3A_316 = vector.shape_cast %parallel_loop3A_315 : vector<1x16xf32> to vector<16xf32>
        %parallel_loop3A_317 = vector.shape_cast %parallel_loop3A_312 : vector<16xf32> to vector<1x16xf32>
        tpu.vector_store %arg8[%parallel_loop3A_313, %parallel_loop3A_314], %parallel_loop3A_317 {strides = array<i32>} : memref<32x128xf32, #tpu.memory_space<vmem>>, vector<1x16xf32>,
        %parallel_loop3A_318 = arith.constant 2 : i32
        %parallel_loop3A_319 = arith.addi %parallel_loop3A_82, %parallel_loop3A_318 : i32
        %parallel_loop3A_320 = arith.index_cast %parallel_loop3A_319 : i32 to index
        %parallel_loop3A_321 = arith.constant 16 : index
        %parallel_loop3A_322 = tpu.vector_load %arg6[%parallel_loop3A_320, %parallel_loop3A_321] {strides = array<i32>} : memref<640x32xf32, #tpu.memory_space<vmem>>, vector<1x16xf32>,
        %parallel_loop3A_323 = vector.shape_cast %parallel_loop3A_322 : vector<1x16xf32> to vector<16xf32>
        %parallel_loop3A_324 = arith.constant 128 : i32
        %parallel_loop3A_325 = arith.addi %parallel_loop3A_324, %parallel_loop3A_82 : i32
        %parallel_loop3A_326 = arith.constant 2 : i32
        %parallel_loop3A_327 = arith.addi %parallel_loop3A_325, %parallel_loop3A_326 : i32
        %parallel_loop3A_328 = arith.index_cast %parallel_loop3A_327 : i32 to index
        %parallel_loop3A_329 = arith.constant 16 : index
        %parallel_loop3A_330 = tpu.vector_load %arg6[%parallel_loop3A_328, %parallel_loop3A_329] {strides = array<i32>} : memref<640x32xf32, #tpu.memory_space<vmem>>, vector<1x16xf32>,
        %parallel_loop3A_331 = vector.shape_cast %parallel_loop3A_330 : vector<1x16xf32> to vector<16xf32>
        %parallel_loop3A_332 = arith.addf %parallel_loop3A_323, %parallel_loop3A_331 : vector<16xf32>
        %parallel_loop3A_333 = arith.constant 256 : i32
        %parallel_loop3A_334 = arith.addi %parallel_loop3A_333, %parallel_loop3A_82 : i32
        %parallel_loop3A_335 = arith.constant 2 : i32
        %parallel_loop3A_336 = arith.addi %parallel_loop3A_334, %parallel_loop3A_335 : i32
        %parallel_loop3A_337 = arith.index_cast %parallel_loop3A_336 : i32 to index
        %parallel_loop3A_338 = arith.constant 16 : index
        %parallel_loop3A_339 = tpu.vector_load %arg6[%parallel_loop3A_337, %parallel_loop3A_338] {strides = array<i32>} : memref<640x32xf32, #tpu.memory_space<vmem>>, vector<1x16xf32>,
        %parallel_loop3A_340 = vector.shape_cast %parallel_loop3A_339 : vector<1x16xf32> to vector<16xf32>
        %parallel_loop3A_341 = arith.addf %parallel_loop3A_332, %parallel_loop3A_340 : vector<16xf32>
        %parallel_loop3A_342 = arith.constant 384 : i32
        %parallel_loop3A_343 = arith.addi %parallel_loop3A_342, %parallel_loop3A_82 : i32
        %parallel_loop3A_344 = arith.constant 2 : i32
        %parallel_loop3A_345 = arith.addi %parallel_loop3A_343, %parallel_loop3A_344 : i32
        %parallel_loop3A_346 = arith.index_cast %parallel_loop3A_345 : i32 to index
        %parallel_loop3A_347 = arith.constant 16 : index
        %parallel_loop3A_348 = tpu.vector_load %arg6[%parallel_loop3A_346, %parallel_loop3A_347] {strides = array<i32>} : memref<640x32xf32, #tpu.memory_space<vmem>>, vector<1x16xf32>,
        %parallel_loop3A_349 = vector.shape_cast %parallel_loop3A_348 : vector<1x16xf32> to vector<16xf32>
        %parallel_loop3A_350 = arith.addf %parallel_loop3A_341, %parallel_loop3A_349 : vector<16xf32>
        %parallel_loop3A_351 = arith.constant 512 : i32
        %parallel_loop3A_352 = arith.addi %parallel_loop3A_351, %parallel_loop3A_82 : i32
        %parallel_loop3A_353 = arith.constant 2 : i32
        %parallel_loop3A_354 = arith.addi %parallel_loop3A_352, %parallel_loop3A_353 : i32
        %parallel_loop3A_355 = arith.index_cast %parallel_loop3A_354 : i32 to index
        %parallel_loop3A_356 = arith.constant 16 : index
        %parallel_loop3A_357 = tpu.vector_load %arg6[%parallel_loop3A_355, %parallel_loop3A_356] {strides = array<i32>} : memref<640x32xf32, #tpu.memory_space<vmem>>, vector<1x16xf32>,
        %parallel_loop3A_358 = vector.shape_cast %parallel_loop3A_357 : vector<1x16xf32> to vector<16xf32>
        %parallel_loop3A_359 = arith.addf %parallel_loop3A_350, %parallel_loop3A_358 : vector<16xf32>
        %parallel_loop3A_360 = arith.index_cast %parallel_loop3A_80 : i32 to index
        %parallel_loop3A_361 = arith.constant 80 : index
        %parallel_loop3A_362 = tpu.vector_load %arg8[%parallel_loop3A_360, %parallel_loop3A_361] {strides = array<i32>} : memref<32x128xf32, #tpu.memory_space<vmem>>, vector<1x16xf32>,
        %parallel_loop3A_363 = vector.shape_cast %parallel_loop3A_362 : vector<1x16xf32> to vector<16xf32>
        %parallel_loop3A_364 = vector.shape_cast %parallel_loop3A_359 : vector<16xf32> to vector<1x16xf32>
        tpu.vector_store %arg8[%parallel_loop3A_360, %parallel_loop3A_361], %parallel_loop3A_364 {strides = array<i32>} : memref<32x128xf32, #tpu.memory_space<vmem>>, vector<1x16xf32>,
        %parallel_loop3A_365 = arith.constant 3 : i32
        %parallel_loop3A_366 = arith.addi %parallel_loop3A_82, %parallel_loop3A_365 : i32
        %parallel_loop3A_367 = arith.index_cast %parallel_loop3A_366 : i32 to index
        %parallel_loop3A_368 = arith.constant 0 : index
        %parallel_loop3A_369 = tpu.vector_load %arg6[%parallel_loop3A_367, %parallel_loop3A_368] {strides = array<i32>} : memref<640x32xf32, #tpu.memory_space<vmem>>, vector<1x16xf32>,
        %parallel_loop3A_370 = vector.shape_cast %parallel_loop3A_369 : vector<1x16xf32> to vector<16xf32>
        %parallel_loop3A_371 = arith.constant 128 : i32
        %parallel_loop3A_372 = arith.addi %parallel_loop3A_371, %parallel_loop3A_82 : i32
        %parallel_loop3A_373 = arith.constant 3 : i32
        %parallel_loop3A_374 = arith.addi %parallel_loop3A_372, %parallel_loop3A_373 : i32
        %parallel_loop3A_375 = arith.index_cast %parallel_loop3A_374 : i32 to index
        %parallel_loop3A_376 = arith.constant 0 : index
        %parallel_loop3A_377 = tpu.vector_load %arg6[%parallel_loop3A_375, %parallel_loop3A_376] {strides = array<i32>} : memref<640x32xf32, #tpu.memory_space<vmem>>, vector<1x16xf32>,
        %parallel_loop3A_378 = vector.shape_cast %parallel_loop3A_377 : vector<1x16xf32> to vector<16xf32>
        %parallel_loop3A_379 = arith.addf %parallel_loop3A_370, %parallel_loop3A_378 : vector<16xf32>
        %parallel_loop3A_380 = arith.constant 256 : i32
        %parallel_loop3A_381 = arith.addi %parallel_loop3A_380, %parallel_loop3A_82 : i32
        %parallel_loop3A_382 = arith.constant 3 : i32
        %parallel_loop3A_383 = arith.addi %parallel_loop3A_381, %parallel_loop3A_382 : i32
        %parallel_loop3A_384 = arith.index_cast %parallel_loop3A_383 : i32 to index
        %parallel_loop3A_385 = arith.constant 0 : index
        %parallel_loop3A_386 = tpu.vector_load %arg6[%parallel_loop3A_384, %parallel_loop3A_385] {strides = array<i32>} : memref<640x32xf32, #tpu.memory_space<vmem>>, vector<1x16xf32>,
        %parallel_loop3A_387 = vector.shape_cast %parallel_loop3A_386 : vector<1x16xf32> to vector<16xf32>
        %parallel_loop3A_388 = arith.addf %parallel_loop3A_379, %parallel_loop3A_387 : vector<16xf32>
        %parallel_loop3A_389 = arith.constant 384 : i32
        %parallel_loop3A_390 = arith.addi %parallel_loop3A_389, %parallel_loop3A_82 : i32
        %parallel_loop3A_391 = arith.constant 3 : i32
        %parallel_loop3A_392 = arith.addi %parallel_loop3A_390, %parallel_loop3A_391 : i32
        %parallel_loop3A_393 = arith.index_cast %parallel_loop3A_392 : i32 to index
        %parallel_loop3A_394 = arith.constant 0 : index
        %parallel_loop3A_395 = tpu.vector_load %arg6[%parallel_loop3A_393, %parallel_loop3A_394] {strides = array<i32>} : memref<640x32xf32, #tpu.memory_space<vmem>>, vector<1x16xf32>,
        %parallel_loop3A_396 = vector.shape_cast %parallel_loop3A_395 : vector<1x16xf32> to vector<16xf32>
        %parallel_loop3A_397 = arith.addf %parallel_loop3A_388, %parallel_loop3A_396 : vector<16xf32>
        %parallel_loop3A_398 = arith.constant 512 : i32
        %parallel_loop3A_399 = arith.addi %parallel_loop3A_398, %parallel_loop3A_82 : i32
        %parallel_loop3A_400 = arith.constant 3 : i32
        %parallel_loop3A_401 = arith.addi %parallel_loop3A_399, %parallel_loop3A_400 : i32
        %parallel_loop3A_402 = arith.index_cast %parallel_loop3A_401 : i32 to index
        %parallel_loop3A_403 = arith.constant 0 : index
        %parallel_loop3A_404 = tpu.vector_load %arg6[%parallel_loop3A_402, %parallel_loop3A_403] {strides = array<i32>} : memref<640x32xf32, #tpu.memory_space<vmem>>, vector<1x16xf32>,
        %parallel_loop3A_405 = vector.shape_cast %parallel_loop3A_404 : vector<1x16xf32> to vector<16xf32>
        %parallel_loop3A_406 = arith.addf %parallel_loop3A_397, %parallel_loop3A_405 : vector<16xf32>
        %parallel_loop3A_407 = arith.index_cast %parallel_loop3A_80 : i32 to index
        %parallel_loop3A_408 = arith.constant 96 : index
        %parallel_loop3A_409 = tpu.vector_load %arg8[%parallel_loop3A_407, %parallel_loop3A_408] {strides = array<i32>} : memref<32x128xf32, #tpu.memory_space<vmem>>, vector<1x16xf32>,
        %parallel_loop3A_410 = vector.shape_cast %parallel_loop3A_409 : vector<1x16xf32> to vector<16xf32>
        %parallel_loop3A_411 = vector.shape_cast %parallel_loop3A_406 : vector<16xf32> to vector<1x16xf32>
        tpu.vector_store %arg8[%parallel_loop3A_407, %parallel_loop3A_408], %parallel_loop3A_411 {strides = array<i32>} : memref<32x128xf32, #tpu.memory_space<vmem>>, vector<1x16xf32>,
        %parallel_loop3A_412 = arith.constant 3 : i32
        %parallel_loop3A_413 = arith.addi %parallel_loop3A_82, %parallel_loop3A_412 : i32
        %parallel_loop3A_414 = arith.index_cast %parallel_loop3A_413 : i32 to index
        %parallel_loop3A_415 = arith.constant 16 : index
        %parallel_loop3A_416 = tpu.vector_load %arg6[%parallel_loop3A_414, %parallel_loop3A_415] {strides = array<i32>} : memref<640x32xf32, #tpu.memory_space<vmem>>, vector<1x16xf32>,
        %parallel_loop3A_417 = vector.shape_cast %parallel_loop3A_416 : vector<1x16xf32> to vector<16xf32>
        %parallel_loop3A_418 = arith.constant 128 : i32
        %parallel_loop3A_419 = arith.addi %parallel_loop3A_418, %parallel_loop3A_82 : i32
        %parallel_loop3A_420 = arith.constant 3 : i32
        %parallel_loop3A_421 = arith.addi %parallel_loop3A_419, %parallel_loop3A_420 : i32
        %parallel_loop3A_422 = arith.index_cast %parallel_loop3A_421 : i32 to index
        %parallel_loop3A_423 = arith.constant 16 : index
        %parallel_loop3A_424 = tpu.vector_load %arg6[%parallel_loop3A_422, %parallel_loop3A_423] {strides = array<i32>} : memref<640x32xf32, #tpu.memory_space<vmem>>, vector<1x16xf32>,
        %parallel_loop3A_425 = vector.shape_cast %parallel_loop3A_424 : vector<1x16xf32> to vector<16xf32>
        %parallel_loop3A_426 = arith.addf %parallel_loop3A_417, %parallel_loop3A_425 : vector<16xf32>
        %parallel_loop3A_427 = arith.constant 256 : i32
        %parallel_loop3A_428 = arith.addi %parallel_loop3A_427, %parallel_loop3A_82 : i32
        %parallel_loop3A_429 = arith.constant 3 : i32
        %parallel_loop3A_430 = arith.addi %parallel_loop3A_428, %parallel_loop3A_429 : i32
        %parallel_loop3A_431 = arith.index_cast %parallel_loop3A_430 : i32 to index
        %parallel_loop3A_432 = arith.constant 16 : index
        %parallel_loop3A_433 = tpu.vector_load %arg6[%parallel_loop3A_431, %parallel_loop3A_432] {strides = array<i32>} : memref<640x32xf32, #tpu.memory_space<vmem>>, vector<1x16xf32>,
        %parallel_loop3A_434 = vector.shape_cast %parallel_loop3A_433 : vector<1x16xf32> to vector<16xf32>
        %parallel_loop3A_435 = arith.addf %parallel_loop3A_426, %parallel_loop3A_434 : vector<16xf32>
        %parallel_loop3A_436 = arith.constant 384 : i32
        %parallel_loop3A_437 = arith.addi %parallel_loop3A_436, %parallel_loop3A_82 : i32
        %parallel_loop3A_438 = arith.constant 3 : i32
        %parallel_loop3A_439 = arith.addi %parallel_loop3A_437, %parallel_loop3A_438 : i32
        %parallel_loop3A_440 = arith.index_cast %parallel_loop3A_439 : i32 to index
        %parallel_loop3A_441 = arith.constant 16 : index
        %parallel_loop3A_442 = tpu.vector_load %arg6[%parallel_loop3A_440, %parallel_loop3A_441] {strides = array<i32>} : memref<640x32xf32, #tpu.memory_space<vmem>>, vector<1x16xf32>,
        %parallel_loop3A_443 = vector.shape_cast %parallel_loop3A_442 : vector<1x16xf32> to vector<16xf32>
        %parallel_loop3A_444 = arith.addf %parallel_loop3A_435, %parallel_loop3A_443 : vector<16xf32>
        %parallel_loop3A_445 = arith.constant 512 : i32
        %parallel_loop3A_446 = arith.addi %parallel_loop3A_445, %parallel_loop3A_82 : i32
        %parallel_loop3A_447 = arith.constant 3 : i32
        %parallel_loop3A_448 = arith.addi %parallel_loop3A_446, %parallel_loop3A_447 : i32
        %parallel_loop3A_449 = arith.index_cast %parallel_loop3A_448 : i32 to index
        %parallel_loop3A_450 = arith.constant 16 : index
        %parallel_loop3A_451 = tpu.vector_load %arg6[%parallel_loop3A_449, %parallel_loop3A_450] {strides = array<i32>} : memref<640x32xf32, #tpu.memory_space<vmem>>, vector<1x16xf32>,
        %parallel_loop3A_452 = vector.shape_cast %parallel_loop3A_451 : vector<1x16xf32> to vector<16xf32>
        %parallel_loop3A_453 = arith.addf %parallel_loop3A_444, %parallel_loop3A_452 : vector<16xf32>
        %parallel_loop3A_454 = arith.index_cast %parallel_loop3A_80 : i32 to index
        %parallel_loop3A_455 = arith.constant 112 : index
        %parallel_loop3A_456 = tpu.vector_load %arg8[%parallel_loop3A_454, %parallel_loop3A_455] {strides = array<i32>} : memref<32x128xf32, #tpu.memory_space<vmem>>, vector<1x16xf32>,
        %parallel_loop3A_457 = vector.shape_cast %parallel_loop3A_456 : vector<1x16xf32> to vector<16xf32>
        %parallel_loop3A_458 = vector.shape_cast %parallel_loop3A_453 : vector<16xf32> to vector<1x16xf32>
        tpu.vector_store %arg8[%parallel_loop3A_454, %parallel_loop3A_455], %parallel_loop3A_458 {strides = array<i32>} : memref<32x128xf32, #tpu.memory_space<vmem>>, vector<1x16xf32>,
      } {sc.loop_unroll_factor = 4 : i64, sc.parallel_access}
      %mul3A_46 = arith.constant 32 : i32
      %mul3A_47 = arith.muli %mul3A_27, %mul3A_46 : i32
      %add3A_48 = arith.addi %mul3A_4, %mul3A_47 : i32
      %dma_start3A_49 = arith.constant 0 : i32
      %dma_start3A_50 = tpu.memref_slice %arg4[%add3A_48, %dma_start3A_49] : memref<16384x128xf32, #tpu.memory_space<hbm>> -> memref<32x128xf32, #tpu.memory_space<hbm>>
      %dma_start3A_51 = arith.constant 0 : i32
      %dma_start3A_52 = tpu.memref_slice %arg4[%add3A_48, %dma_start3A_51] : memref<16384x128xf32, #tpu.memory_space<hbm>> -> memref<32x128xf32, #tpu.memory_space<hbm>>
      tpu.enqueue_dma source(%arg8 : memref<32x128xf32, #tpu.memory_space<vmem>>) target(%dma_start3A_52 : memref<32x128xf32, #tpu.memory_space<hbm>>) target_semaphore(%arg13 : memref<!tpu.dma_semaphore, #tpu.memory_space<semaphore_mem>>)
      %lt3A = arith.constant 7 : i32
      %lt3A_53 = arith.cmpi slt, %scan3A_25, %lt3A : i32
      %convert_element_type3A_54 = arith.extui %lt3A_53 : i1 to i32
      %cond3A_55 = arith.constant 0 : i32
      %cond3A_56 = arith.cmpi ne, %convert_element_type3A_54, %cond3A_55 : i32
      scf.if %cond3A_56 {
        %add3A_80 = arith.constant 2 : i32
        %add3A_81 = arith.addi %mul3A_27, %add3A_80 : i32
        %mul3A_82 = arith.constant 640 : i32
        %mul3A_83 = arith.muli %add3A_81, %mul3A_82 : i32
        %dma_start3A_84 = tpu.memref_slice %arg5[%mul3A_83] : memref<10240xi32, #tpu.memory_space<vmem>> -> memref<640xi32, #tpu.memory_space<vmem>>
        %dma_start3A_85 = arith.constant 0 : i32
        %dma_start3A_86 = arith.constant 0 : i32
        %dma_start3A_87 = tpu.memref_slice %arg10[%dma_start3A_85, %dma_start3A_86] : memref<21120x32xf32, #tpu.memory_space<vmem_shared>> -> memref<21120x32xf32, #tpu.memory_space<vmem_shared>>
        tpu.enqueue_indirect_dma source(%dma_start3A_87 : memref<21120x32xf32, #tpu.memory_space<vmem_shared>>) target(%arg6 : memref<640x32xf32, #tpu.memory_space<vmem>>) offsets(%dma_start3A_84 : memref<640xi32, #tpu.memory_space<vmem>>) semaphore(%arg11 : memref<!tpu.dma_semaphore, #tpu.memory_space<semaphore_mem>>)
      } else {
      }
      %dma_wait3A_57 = arith.constant 0 : i32
      %dma_wait3A_58 = arith.constant 0 : i32
      %dma_wait3A_59 = tpu.memref_slice %arg2[%dma_wait3A_57, %dma_wait3A_58] : memref<21120x32xf32, #tpu.memory_space<hbm>> -> memref<640x32xf32, #tpu.memory_space<hbm>>
      %dma_wait3A_60 = arith.constant 0 : i32
      %dma_wait3A_61 = arith.constant 0 : i32
      %dma_wait3A_62 = tpu.memref_slice %arg2[%dma_wait3A_60, %dma_wait3A_61] : memref<21120x32xf32, #tpu.memory_space<hbm>> -> memref<640x32xf32, #tpu.memory_space<hbm>>
      tpu.wait_dma2 semaphore(%arg12 : memref<!tpu.dma_semaphore, #tpu.memory_space<semaphore_mem>>) src(%dma_wait3A_62 : memref<640x32xf32, #tpu.memory_space<hbm>>) dst(%arg7 : memref<640x32xf32, #tpu.memory_space<vmem>>)
      %add3A_63 = arith.constant 1 : i32
      %add3A_64 = arith.addi %mul3A_27, %add3A_63 : i32
      %gt3A_65 = arith.constant 0 : i32
      %gt3A_66 = arith.cmpi sgt, %scan3A_25, %gt3A_65 : i32
      %convert_element_type3A_67 = arith.extui %gt3A_66 : i1 to i32
      %cond3A_68 = arith.constant 0 : i32
      %cond3A_69 = arith.cmpi ne, %convert_element_type3A_67, %cond3A_68 : i32
      scf.if %cond3A_69 {
        %dma_wait3A_80 = arith.constant 0 : i32
        %dma_wait3A_81 = tpu.memref_slice %arg4[%mul3A_4, %dma_wait3A_80] : memref<16384x128xf32, #tpu.memory_space<hbm>> -> memref<32x128xf32, #tpu.memory_space<hbm>>
        %dma_wait3A_82 = arith.constant 0 : i32
        %dma_wait3A_83 = tpu.memref_slice %arg4[%mul3A_4, %dma_wait3A_82] : memref<16384x128xf32, #tpu.memory_space<hbm>> -> memref<32x128xf32, #tpu.memory_space<hbm>>
        tpu.wait_dma2 semaphore(%arg14 : memref<!tpu.dma_semaphore, #tpu.memory_space<semaphore_mem>>) src(%arg9 : memref<32x128xf32, #tpu.memory_space<vmem>>) dst(%dma_wait3A_83 : memref<32x128xf32, #tpu.memory_space<hbm>>)
      } else {
      }
      %parallel_loop3A_70 = arith.constant 0 : i32
      %parallel_loop3A_71 = arith.constant 32 : i32
      %parallel_loop3A_72 = arith.constant 1 : i32
      scf.for %parallel_loop3A_80 = %parallel_loop3A_70 to %parallel_loop3A_71 step %parallel_loop3A_72  : i32 {
        %parallel_loop3A_81 = arith.constant 2 : i32
        %parallel_loop3A_82 = arith.shli %parallel_loop3A_80, %parallel_loop3A_81 : i32
        %parallel_loop3A_83 = arith.constant 0 : i32
        %parallel_loop3A_84 = arith.addi %parallel_loop3A_82, %parallel_loop3A_83 : i32
        %parallel_loop3A_85 = arith.index_cast %parallel_loop3A_84 : i32 to index
        %parallel_loop3A_86 = arith.constant 0 : index
        %parallel_loop3A_87 = tpu.vector_load %arg7[%parallel_loop3A_85, %parallel_loop3A_86] {strides = array<i32>} : memref<640x32xf32, #tpu.memory_space<vmem>>, vector<1x16xf32>,
        %parallel_loop3A_88 = vector.shape_cast %parallel_loop3A_87 : vector<1x16xf32> to vector<16xf32>
        %parallel_loop3A_89 = arith.constant 128 : i32
        %parallel_loop3A_90 = arith.addi %parallel_loop3A_89, %parallel_loop3A_82 : i32
        %parallel_loop3A_91 = arith.constant 0 : i32
        %parallel_loop3A_92 = arith.addi %parallel_loop3A_90, %parallel_loop3A_91 : i32
        %parallel_loop3A_93 = arith.index_cast %parallel_loop3A_92 : i32 to index
        %parallel_loop3A_94 = arith.constant 0 : index
        %parallel_loop3A_95 = tpu.vector_load %arg7[%parallel_loop3A_93, %parallel_loop3A_94] {strides = array<i32>} : memref<640x32xf32, #tpu.memory_space<vmem>>, vector<1x16xf32>,
        %parallel_loop3A_96 = vector.shape_cast %parallel_loop3A_95 : vector<1x16xf32> to vector<16xf32>
        %parallel_loop3A_97 = arith.addf %parallel_loop3A_88, %parallel_loop3A_96 : vector<16xf32>
        %parallel_loop3A_98 = arith.constant 256 : i32
        %parallel_loop3A_99 = arith.addi %parallel_loop3A_98, %parallel_loop3A_82 : i32
        %parallel_loop3A_100 = arith.constant 0 : i32
        %parallel_loop3A_101 = arith.addi %parallel_loop3A_99, %parallel_loop3A_100 : i32
        %parallel_loop3A_102 = arith.index_cast %parallel_loop3A_101 : i32 to index
        %parallel_loop3A_103 = arith.constant 0 : index
        %parallel_loop3A_104 = tpu.vector_load %arg7[%parallel_loop3A_102, %parallel_loop3A_103] {strides = array<i32>} : memref<640x32xf32, #tpu.memory_space<vmem>>, vector<1x16xf32>,
        %parallel_loop3A_105 = vector.shape_cast %parallel_loop3A_104 : vector<1x16xf32> to vector<16xf32>
        %parallel_loop3A_106 = arith.addf %parallel_loop3A_97, %parallel_loop3A_105 : vector<16xf32>
        %parallel_loop3A_107 = arith.constant 384 : i32
        %parallel_loop3A_108 = arith.addi %parallel_loop3A_107, %parallel_loop3A_82 : i32
        %parallel_loop3A_109 = arith.constant 0 : i32
        %parallel_loop3A_110 = arith.addi %parallel_loop3A_108, %parallel_loop3A_109 : i32
        %parallel_loop3A_111 = arith.index_cast %parallel_loop3A_110 : i32 to index
        %parallel_loop3A_112 = arith.constant 0 : index
        %parallel_loop3A_113 = tpu.vector_load %arg7[%parallel_loop3A_111, %parallel_loop3A_112] {strides = array<i32>} : memref<640x32xf32, #tpu.memory_space<vmem>>, vector<1x16xf32>,
        %parallel_loop3A_114 = vector.shape_cast %parallel_loop3A_113 : vector<1x16xf32> to vector<16xf32>
        %parallel_loop3A_115 = arith.addf %parallel_loop3A_106, %parallel_loop3A_114 : vector<16xf32>
        %parallel_loop3A_116 = arith.constant 512 : i32
        %parallel_loop3A_117 = arith.addi %parallel_loop3A_116, %parallel_loop3A_82 : i32
        %parallel_loop3A_118 = arith.constant 0 : i32
        %parallel_loop3A_119 = arith.addi %parallel_loop3A_117, %parallel_loop3A_118 : i32
        %parallel_loop3A_120 = arith.index_cast %parallel_loop3A_119 : i32 to index
        %parallel_loop3A_121 = arith.constant 0 : index
        %parallel_loop3A_122 = tpu.vector_load %arg7[%parallel_loop3A_120, %parallel_loop3A_121] {strides = array<i32>} : memref<640x32xf32, #tpu.memory_space<vmem>>, vector<1x16xf32>,
        %parallel_loop3A_123 = vector.shape_cast %parallel_loop3A_122 : vector<1x16xf32> to vector<16xf32>
        %parallel_loop3A_124 = arith.addf %parallel_loop3A_115, %parallel_loop3A_123 : vector<16xf32>
        %parallel_loop3A_125 = arith.index_cast %parallel_loop3A_80 : i32 to index
        %parallel_loop3A_126 = arith.constant 0 : index
        %parallel_loop3A_127 = tpu.vector_load %arg9[%parallel_loop3A_125, %parallel_loop3A_126] {strides = array<i32>} : memref<32x128xf32, #tpu.memory_space<vmem>>, vector<1x16xf32>,
        %parallel_loop3A_128 = vector.shape_cast %parallel_loop3A_127 : vector<1x16xf32> to vector<16xf32>
        %parallel_loop3A_129 = vector.shape_cast %parallel_loop3A_124 : vector<16xf32> to vector<1x16xf32>
        tpu.vector_store %arg9[%parallel_loop3A_125, %parallel_loop3A_126], %parallel_loop3A_129 {strides = array<i32>} : memref<32x128xf32, #tpu.memory_space<vmem>>, vector<1x16xf32>,
        %parallel_loop3A_130 = arith.constant 0 : i32
        %parallel_loop3A_131 = arith.addi %parallel_loop3A_82, %parallel_loop3A_130 : i32
        %parallel_loop3A_132 = arith.index_cast %parallel_loop3A_131 : i32 to index
        %parallel_loop3A_133 = arith.constant 16 : index
        %parallel_loop3A_134 = tpu.vector_load %arg7[%parallel_loop3A_132, %parallel_loop3A_133] {strides = array<i32>} : memref<640x32xf32, #tpu.memory_space<vmem>>, vector<1x16xf32>,
        %parallel_loop3A_135 = vector.shape_cast %parallel_loop3A_134 : vector<1x16xf32> to vector<16xf32>
        %parallel_loop3A_136 = arith.constant 128 : i32
        %parallel_loop3A_137 = arith.addi %parallel_loop3A_136, %parallel_loop3A_82 : i32
        %parallel_loop3A_138 = arith.constant 0 : i32
        %parallel_loop3A_139 = arith.addi %parallel_loop3A_137, %parallel_loop3A_138 : i32
        %parallel_loop3A_140 = arith.index_cast %parallel_loop3A_139 : i32 to index
        %parallel_loop3A_141 = arith.constant 16 : index
        %parallel_loop3A_142 = tpu.vector_load %arg7[%parallel_loop3A_140, %parallel_loop3A_141] {strides = array<i32>} : memref<640x32xf32, #tpu.memory_space<vmem>>, vector<1x16xf32>,
        %parallel_loop3A_143 = vector.shape_cast %parallel_loop3A_142 : vector<1x16xf32> to vector<16xf32>
        %parallel_loop3A_144 = arith.addf %parallel_loop3A_135, %parallel_loop3A_143 : vector<16xf32>
        %parallel_loop3A_145 = arith.constant 256 : i32
        %parallel_loop3A_146 = arith.addi %parallel_loop3A_145, %parallel_loop3A_82 : i32
        %parallel_loop3A_147 = arith.constant 0 : i32
        %parallel_loop3A_148 = arith.addi %parallel_loop3A_146, %parallel_loop3A_147 : i32
        %parallel_loop3A_149 = arith.index_cast %parallel_loop3A_148 : i32 to index
        %parallel_loop3A_150 = arith.constant 16 : index
        %parallel_loop3A_151 = tpu.vector_load %arg7[%parallel_loop3A_149, %parallel_loop3A_150] {strides = array<i32>} : memref<640x32xf32, #tpu.memory_space<vmem>>, vector<1x16xf32>,
        %parallel_loop3A_152 = vector.shape_cast %parallel_loop3A_151 : vector<1x16xf32> to vector<16xf32>
        %parallel_loop3A_153 = arith.addf %parallel_loop3A_144, %parallel_loop3A_152 : vector<16xf32>
        %parallel_loop3A_154 = arith.constant 384 : i32
        %parallel_loop3A_155 = arith.addi %parallel_loop3A_154, %parallel_loop3A_82 : i32
        %parallel_loop3A_156 = arith.constant 0 : i32
        %parallel_loop3A_157 = arith.addi %parallel_loop3A_155, %parallel_loop3A_156 : i32
        %parallel_loop3A_158 = arith.index_cast %parallel_loop3A_157 : i32 to index
        %parallel_loop3A_159 = arith.constant 16 : index
        %parallel_loop3A_160 = tpu.vector_load %arg7[%parallel_loop3A_158, %parallel_loop3A_159] {strides = array<i32>} : memref<640x32xf32, #tpu.memory_space<vmem>>, vector<1x16xf32>,
        %parallel_loop3A_161 = vector.shape_cast %parallel_loop3A_160 : vector<1x16xf32> to vector<16xf32>
        %parallel_loop3A_162 = arith.addf %parallel_loop3A_153, %parallel_loop3A_161 : vector<16xf32>
        %parallel_loop3A_163 = arith.constant 512 : i32
        %parallel_loop3A_164 = arith.addi %parallel_loop3A_163, %parallel_loop3A_82 : i32
        %parallel_loop3A_165 = arith.constant 0 : i32
        %parallel_loop3A_166 = arith.addi %parallel_loop3A_164, %parallel_loop3A_165 : i32
        %parallel_loop3A_167 = arith.index_cast %parallel_loop3A_166 : i32 to index
        %parallel_loop3A_168 = arith.constant 16 : index
        %parallel_loop3A_169 = tpu.vector_load %arg7[%parallel_loop3A_167, %parallel_loop3A_168] {strides = array<i32>} : memref<640x32xf32, #tpu.memory_space<vmem>>, vector<1x16xf32>,
        %parallel_loop3A_170 = vector.shape_cast %parallel_loop3A_169 : vector<1x16xf32> to vector<16xf32>
        %parallel_loop3A_171 = arith.addf %parallel_loop3A_162, %parallel_loop3A_170 : vector<16xf32>
        %parallel_loop3A_172 = arith.index_cast %parallel_loop3A_80 : i32 to index
        %parallel_loop3A_173 = arith.constant 16 : index
        %parallel_loop3A_174 = tpu.vector_load %arg9[%parallel_loop3A_172, %parallel_loop3A_173] {strides = array<i32>} : memref<32x128xf32, #tpu.memory_space<vmem>>, vector<1x16xf32>,
        %parallel_loop3A_175 = vector.shape_cast %parallel_loop3A_174 : vector<1x16xf32> to vector<16xf32>
        %parallel_loop3A_176 = vector.shape_cast %parallel_loop3A_171 : vector<16xf32> to vector<1x16xf32>
        tpu.vector_store %arg9[%parallel_loop3A_172, %parallel_loop3A_173], %parallel_loop3A_176 {strides = array<i32>} : memref<32x128xf32, #tpu.memory_space<vmem>>, vector<1x16xf32>,
        %parallel_loop3A_177 = arith.constant 1 : i32
        %parallel_loop3A_178 = arith.addi %parallel_loop3A_82, %parallel_loop3A_177 : i32
        %parallel_loop3A_179 = arith.index_cast %parallel_loop3A_178 : i32 to index
        %parallel_loop3A_180 = arith.constant 0 : index
        %parallel_loop3A_181 = tpu.vector_load %arg7[%parallel_loop3A_179, %parallel_loop3A_180] {strides = array<i32>} : memref<640x32xf32, #tpu.memory_space<vmem>>, vector<1x16xf32>,
        %parallel_loop3A_182 = vector.shape_cast %parallel_loop3A_181 : vector<1x16xf32> to vector<16xf32>
        %parallel_loop3A_183 = arith.constant 128 : i32
        %parallel_loop3A_184 = arith.addi %parallel_loop3A_183, %parallel_loop3A_82 : i32
        %parallel_loop3A_185 = arith.constant 1 : i32
        %parallel_loop3A_186 = arith.addi %parallel_loop3A_184, %parallel_loop3A_185 : i32
        %parallel_loop3A_187 = arith.index_cast %parallel_loop3A_186 : i32 to index
        %parallel_loop3A_188 = arith.constant 0 : index
        %parallel_loop3A_189 = tpu.vector_load %arg7[%parallel_loop3A_187, %parallel_loop3A_188] {strides = array<i32>} : memref<640x32xf32, #tpu.memory_space<vmem>>, vector<1x16xf32>,
        %parallel_loop3A_190 = vector.shape_cast %parallel_loop3A_189 : vector<1x16xf32> to vector<16xf32>
        %parallel_loop3A_191 = arith.addf %parallel_loop3A_182, %parallel_loop3A_190 : vector<16xf32>
        %parallel_loop3A_192 = arith.constant 256 : i32
        %parallel_loop3A_193 = arith.addi %parallel_loop3A_192, %parallel_loop3A_82 : i32
        %parallel_loop3A_194 = arith.constant 1 : i32
        %parallel_loop3A_195 = arith.addi %parallel_loop3A_193, %parallel_loop3A_194 : i32
        %parallel_loop3A_196 = arith.index_cast %parallel_loop3A_195 : i32 to index
        %parallel_loop3A_197 = arith.constant 0 : index
        %parallel_loop3A_198 = tpu.vector_load %arg7[%parallel_loop3A_196, %parallel_loop3A_197] {strides = array<i32>} : memref<640x32xf32, #tpu.memory_space<vmem>>, vector<1x16xf32>,
        %parallel_loop3A_199 = vector.shape_cast %parallel_loop3A_198 : vector<1x16xf32> to vector<16xf32>
        %parallel_loop3A_200 = arith.addf %parallel_loop3A_191, %parallel_loop3A_199 : vector<16xf32>
        %parallel_loop3A_201 = arith.constant 384 : i32
        %parallel_loop3A_202 = arith.addi %parallel_loop3A_201, %parallel_loop3A_82 : i32
        %parallel_loop3A_203 = arith.constant 1 : i32
        %parallel_loop3A_204 = arith.addi %parallel_loop3A_202, %parallel_loop3A_203 : i32
        %parallel_loop3A_205 = arith.index_cast %parallel_loop3A_204 : i32 to index
        %parallel_loop3A_206 = arith.constant 0 : index
        %parallel_loop3A_207 = tpu.vector_load %arg7[%parallel_loop3A_205, %parallel_loop3A_206] {strides = array<i32>} : memref<640x32xf32, #tpu.memory_space<vmem>>, vector<1x16xf32>,
        %parallel_loop3A_208 = vector.shape_cast %parallel_loop3A_207 : vector<1x16xf32> to vector<16xf32>
        %parallel_loop3A_209 = arith.addf %parallel_loop3A_200, %parallel_loop3A_208 : vector<16xf32>
        %parallel_loop3A_210 = arith.constant 512 : i32
        %parallel_loop3A_211 = arith.addi %parallel_loop3A_210, %parallel_loop3A_82 : i32
        %parallel_loop3A_212 = arith.constant 1 : i32
        %parallel_loop3A_213 = arith.addi %parallel_loop3A_211, %parallel_loop3A_212 : i32
        %parallel_loop3A_214 = arith.index_cast %parallel_loop3A_213 : i32 to index
        %parallel_loop3A_215 = arith.constant 0 : index
        %parallel_loop3A_216 = tpu.vector_load %arg7[%parallel_loop3A_214, %parallel_loop3A_215] {strides = array<i32>} : memref<640x32xf32, #tpu.memory_space<vmem>>, vector<1x16xf32>,
        %parallel_loop3A_217 = vector.shape_cast %parallel_loop3A_216 : vector<1x16xf32> to vector<16xf32>
        %parallel_loop3A_218 = arith.addf %parallel_loop3A_209, %parallel_loop3A_217 : vector<16xf32>
        %parallel_loop3A_219 = arith.index_cast %parallel_loop3A_80 : i32 to index
        %parallel_loop3A_220 = arith.constant 32 : index
        %parallel_loop3A_221 = tpu.vector_load %arg9[%parallel_loop3A_219, %parallel_loop3A_220] {strides = array<i32>} : memref<32x128xf32, #tpu.memory_space<vmem>>, vector<1x16xf32>,
        %parallel_loop3A_222 = vector.shape_cast %parallel_loop3A_221 : vector<1x16xf32> to vector<16xf32>
        %parallel_loop3A_223 = vector.shape_cast %parallel_loop3A_218 : vector<16xf32> to vector<1x16xf32>
        tpu.vector_store %arg9[%parallel_loop3A_219, %parallel_loop3A_220], %parallel_loop3A_223 {strides = array<i32>} : memref<32x128xf32, #tpu.memory_space<vmem>>, vector<1x16xf32>,
        %parallel_loop3A_224 = arith.constant 1 : i32
        %parallel_loop3A_225 = arith.addi %parallel_loop3A_82, %parallel_loop3A_224 : i32
        %parallel_loop3A_226 = arith.index_cast %parallel_loop3A_225 : i32 to index
        %parallel_loop3A_227 = arith.constant 16 : index
        %parallel_loop3A_228 = tpu.vector_load %arg7[%parallel_loop3A_226, %parallel_loop3A_227] {strides = array<i32>} : memref<640x32xf32, #tpu.memory_space<vmem>>, vector<1x16xf32>,
        %parallel_loop3A_229 = vector.shape_cast %parallel_loop3A_228 : vector<1x16xf32> to vector<16xf32>
        %parallel_loop3A_230 = arith.constant 128 : i32
        %parallel_loop3A_231 = arith.addi %parallel_loop3A_230, %parallel_loop3A_82 : i32
        %parallel_loop3A_232 = arith.constant 1 : i32
        %parallel_loop3A_233 = arith.addi %parallel_loop3A_231, %parallel_loop3A_232 : i32
        %parallel_loop3A_234 = arith.index_cast %parallel_loop3A_233 : i32 to index
        %parallel_loop3A_235 = arith.constant 16 : index
        %parallel_loop3A_236 = tpu.vector_load %arg7[%parallel_loop3A_234, %parallel_loop3A_235] {strides = array<i32>} : memref<640x32xf32, #tpu.memory_space<vmem>>, vector<1x16xf32>,
        %parallel_loop3A_237 = vector.shape_cast %parallel_loop3A_236 : vector<1x16xf32> to vector<16xf32>
        %parallel_loop3A_238 = arith.addf %parallel_loop3A_229, %parallel_loop3A_237 : vector<16xf32>
        %parallel_loop3A_239 = arith.constant 256 : i32
        %parallel_loop3A_240 = arith.addi %parallel_loop3A_239, %parallel_loop3A_82 : i32
        %parallel_loop3A_241 = arith.constant 1 : i32
        %parallel_loop3A_242 = arith.addi %parallel_loop3A_240, %parallel_loop3A_241 : i32
        %parallel_loop3A_243 = arith.index_cast %parallel_loop3A_242 : i32 to index
        %parallel_loop3A_244 = arith.constant 16 : index
        %parallel_loop3A_245 = tpu.vector_load %arg7[%parallel_loop3A_243, %parallel_loop3A_244] {strides = array<i32>} : memref<640x32xf32, #tpu.memory_space<vmem>>, vector<1x16xf32>,
        %parallel_loop3A_246 = vector.shape_cast %parallel_loop3A_245 : vector<1x16xf32> to vector<16xf32>
        %parallel_loop3A_247 = arith.addf %parallel_loop3A_238, %parallel_loop3A_246 : vector<16xf32>
        %parallel_loop3A_248 = arith.constant 384 : i32
        %parallel_loop3A_249 = arith.addi %parallel_loop3A_248, %parallel_loop3A_82 : i32
        %parallel_loop3A_250 = arith.constant 1 : i32
        %parallel_loop3A_251 = arith.addi %parallel_loop3A_249, %parallel_loop3A_250 : i32
        %parallel_loop3A_252 = arith.index_cast %parallel_loop3A_251 : i32 to index
        %parallel_loop3A_253 = arith.constant 16 : index
        %parallel_loop3A_254 = tpu.vector_load %arg7[%parallel_loop3A_252, %parallel_loop3A_253] {strides = array<i32>} : memref<640x32xf32, #tpu.memory_space<vmem>>, vector<1x16xf32>,
        %parallel_loop3A_255 = vector.shape_cast %parallel_loop3A_254 : vector<1x16xf32> to vector<16xf32>
        %parallel_loop3A_256 = arith.addf %parallel_loop3A_247, %parallel_loop3A_255 : vector<16xf32>
        %parallel_loop3A_257 = arith.constant 512 : i32
        %parallel_loop3A_258 = arith.addi %parallel_loop3A_257, %parallel_loop3A_82 : i32
        %parallel_loop3A_259 = arith.constant 1 : i32
        %parallel_loop3A_260 = arith.addi %parallel_loop3A_258, %parallel_loop3A_259 : i32
        %parallel_loop3A_261 = arith.index_cast %parallel_loop3A_260 : i32 to index
        %parallel_loop3A_262 = arith.constant 16 : index
        %parallel_loop3A_263 = tpu.vector_load %arg7[%parallel_loop3A_261, %parallel_loop3A_262] {strides = array<i32>} : memref<640x32xf32, #tpu.memory_space<vmem>>, vector<1x16xf32>,
        %parallel_loop3A_264 = vector.shape_cast %parallel_loop3A_263 : vector<1x16xf32> to vector<16xf32>
        %parallel_loop3A_265 = arith.addf %parallel_loop3A_256, %parallel_loop3A_264 : vector<16xf32>
        %parallel_loop3A_266 = arith.index_cast %parallel_loop3A_80 : i32 to index
        %parallel_loop3A_267 = arith.constant 48 : index
        %parallel_loop3A_268 = tpu.vector_load %arg9[%parallel_loop3A_266, %parallel_loop3A_267] {strides = array<i32>} : memref<32x128xf32, #tpu.memory_space<vmem>>, vector<1x16xf32>,
        %parallel_loop3A_269 = vector.shape_cast %parallel_loop3A_268 : vector<1x16xf32> to vector<16xf32>
        %parallel_loop3A_270 = vector.shape_cast %parallel_loop3A_265 : vector<16xf32> to vector<1x16xf32>
        tpu.vector_store %arg9[%parallel_loop3A_266, %parallel_loop3A_267], %parallel_loop3A_270 {strides = array<i32>} : memref<32x128xf32, #tpu.memory_space<vmem>>, vector<1x16xf32>,
        %parallel_loop3A_271 = arith.constant 2 : i32
        %parallel_loop3A_272 = arith.addi %parallel_loop3A_82, %parallel_loop3A_271 : i32
        %parallel_loop3A_273 = arith.index_cast %parallel_loop3A_272 : i32 to index
        %parallel_loop3A_274 = arith.constant 0 : index
        %parallel_loop3A_275 = tpu.vector_load %arg7[%parallel_loop3A_273, %parallel_loop3A_274] {strides = array<i32>} : memref<640x32xf32, #tpu.memory_space<vmem>>, vector<1x16xf32>,
        %parallel_loop3A_276 = vector.shape_cast %parallel_loop3A_275 : vector<1x16xf32> to vector<16xf32>
        %parallel_loop3A_277 = arith.constant 128 : i32
        %parallel_loop3A_278 = arith.addi %parallel_loop3A_277, %parallel_loop3A_82 : i32
        %parallel_loop3A_279 = arith.constant 2 : i32
        %parallel_loop3A_280 = arith.addi %parallel_loop3A_278, %parallel_loop3A_279 : i32
        %parallel_loop3A_281 = arith.index_cast %parallel_loop3A_280 : i32 to index
        %parallel_loop3A_282 = arith.constant 0 : index
        %parallel_loop3A_283 = tpu.vector_load %arg7[%parallel_loop3A_281, %parallel_loop3A_282] {strides = array<i32>} : memref<640x32xf32, #tpu.memory_space<vmem>>, vector<1x16xf32>,
        %parallel_loop3A_284 = vector.shape_cast %parallel_loop3A_283 : vector<1x16xf32> to vector<16xf32>
        %parallel_loop3A_285 = arith.addf %parallel_loop3A_276, %parallel_loop3A_284 : vector<16xf32>
        %parallel_loop3A_286 = arith.constant 256 : i32
        %parallel_loop3A_287 = arith.addi %parallel_loop3A_286, %parallel_loop3A_82 : i32
        %parallel_loop3A_288 = arith.constant 2 : i32
        %parallel_loop3A_289 = arith.addi %parallel_loop3A_287, %parallel_loop3A_288 : i32
        %parallel_loop3A_290 = arith.index_cast %parallel_loop3A_289 : i32 to index
        %parallel_loop3A_291 = arith.constant 0 : index
        %parallel_loop3A_292 = tpu.vector_load %arg7[%parallel_loop3A_290, %parallel_loop3A_291] {strides = array<i32>} : memref<640x32xf32, #tpu.memory_space<vmem>>, vector<1x16xf32>,
        %parallel_loop3A_293 = vector.shape_cast %parallel_loop3A_292 : vector<1x16xf32> to vector<16xf32>
        %parallel_loop3A_294 = arith.addf %parallel_loop3A_285, %parallel_loop3A_293 : vector<16xf32>
        %parallel_loop3A_295 = arith.constant 384 : i32
        %parallel_loop3A_296 = arith.addi %parallel_loop3A_295, %parallel_loop3A_82 : i32
        %parallel_loop3A_297 = arith.constant 2 : i32
        %parallel_loop3A_298 = arith.addi %parallel_loop3A_296, %parallel_loop3A_297 : i32
        %parallel_loop3A_299 = arith.index_cast %parallel_loop3A_298 : i32 to index
        %parallel_loop3A_300 = arith.constant 0 : index
        %parallel_loop3A_301 = tpu.vector_load %arg7[%parallel_loop3A_299, %parallel_loop3A_300] {strides = array<i32>} : memref<640x32xf32, #tpu.memory_space<vmem>>, vector<1x16xf32>,
        %parallel_loop3A_302 = vector.shape_cast %parallel_loop3A_301 : vector<1x16xf32> to vector<16xf32>
        %parallel_loop3A_303 = arith.addf %parallel_loop3A_294, %parallel_loop3A_302 : vector<16xf32>
        %parallel_loop3A_304 = arith.constant 512 : i32
        %parallel_loop3A_305 = arith.addi %parallel_loop3A_304, %parallel_loop3A_82 : i32
        %parallel_loop3A_306 = arith.constant 2 : i32
        %parallel_loop3A_307 = arith.addi %parallel_loop3A_305, %parallel_loop3A_306 : i32
        %parallel_loop3A_308 = arith.index_cast %parallel_loop3A_307 : i32 to index
        %parallel_loop3A_309 = arith.constant 0 : index
        %parallel_loop3A_310 = tpu.vector_load %arg7[%parallel_loop3A_308, %parallel_loop3A_309] {strides = array<i32>} : memref<640x32xf32, #tpu.memory_space<vmem>>, vector<1x16xf32>,
        %parallel_loop3A_311 = vector.shape_cast %parallel_loop3A_310 : vector<1x16xf32> to vector<16xf32>
        %parallel_loop3A_312 = arith.addf %parallel_loop3A_303, %parallel_loop3A_311 : vector<16xf32>
        %parallel_loop3A_313 = arith.index_cast %parallel_loop3A_80 : i32 to index
        %parallel_loop3A_314 = arith.constant 64 : index
        %parallel_loop3A_315 = tpu.vector_load %arg9[%parallel_loop3A_313, %parallel_loop3A_314] {strides = array<i32>} : memref<32x128xf32, #tpu.memory_space<vmem>>, vector<1x16xf32>,
        %parallel_loop3A_316 = vector.shape_cast %parallel_loop3A_315 : vector<1x16xf32> to vector<16xf32>
        %parallel_loop3A_317 = vector.shape_cast %parallel_loop3A_312 : vector<16xf32> to vector<1x16xf32>
        tpu.vector_store %arg9[%parallel_loop3A_313, %parallel_loop3A_314], %parallel_loop3A_317 {strides = array<i32>} : memref<32x128xf32, #tpu.memory_space<vmem>>, vector<1x16xf32>,
        %parallel_loop3A_318 = arith.constant 2 : i32
        %parallel_loop3A_319 = arith.addi %parallel_loop3A_82, %parallel_loop3A_318 : i32
        %parallel_loop3A_320 = arith.index_cast %parallel_loop3A_319 : i32 to index
        %parallel_loop3A_321 = arith.constant 16 : index
        %parallel_loop3A_322 = tpu.vector_load %arg7[%parallel_loop3A_320, %parallel_loop3A_321] {strides = array<i32>} : memref<640x32xf32, #tpu.memory_space<vmem>>, vector<1x16xf32>,
        %parallel_loop3A_323 = vector.shape_cast %parallel_loop3A_322 : vector<1x16xf32> to vector<16xf32>
        %parallel_loop3A_324 = arith.constant 128 : i32
        %parallel_loop3A_325 = arith.addi %parallel_loop3A_324, %parallel_loop3A_82 : i32
        %parallel_loop3A_326 = arith.constant 2 : i32
        %parallel_loop3A_327 = arith.addi %parallel_loop3A_325, %parallel_loop3A_326 : i32
        %parallel_loop3A_328 = arith.index_cast %parallel_loop3A_327 : i32 to index
        %parallel_loop3A_329 = arith.constant 16 : index
        %parallel_loop3A_330 = tpu.vector_load %arg7[%parallel_loop3A_328, %parallel_loop3A_329] {strides = array<i32>} : memref<640x32xf32, #tpu.memory_space<vmem>>, vector<1x16xf32>,
        %parallel_loop3A_331 = vector.shape_cast %parallel_loop3A_330 : vector<1x16xf32> to vector<16xf32>
        %parallel_loop3A_332 = arith.addf %parallel_loop3A_323, %parallel_loop3A_331 : vector<16xf32>
        %parallel_loop3A_333 = arith.constant 256 : i32
        %parallel_loop3A_334 = arith.addi %parallel_loop3A_333, %parallel_loop3A_82 : i32
        %parallel_loop3A_335 = arith.constant 2 : i32
        %parallel_loop3A_336 = arith.addi %parallel_loop3A_334, %parallel_loop3A_335 : i32
        %parallel_loop3A_337 = arith.index_cast %parallel_loop3A_336 : i32 to index
        %parallel_loop3A_338 = arith.constant 16 : index
        %parallel_loop3A_339 = tpu.vector_load %arg7[%parallel_loop3A_337, %parallel_loop3A_338] {strides = array<i32>} : memref<640x32xf32, #tpu.memory_space<vmem>>, vector<1x16xf32>,
        %parallel_loop3A_340 = vector.shape_cast %parallel_loop3A_339 : vector<1x16xf32> to vector<16xf32>
        %parallel_loop3A_341 = arith.addf %parallel_loop3A_332, %parallel_loop3A_340 : vector<16xf32>
        %parallel_loop3A_342 = arith.constant 384 : i32
        %parallel_loop3A_343 = arith.addi %parallel_loop3A_342, %parallel_loop3A_82 : i32
        %parallel_loop3A_344 = arith.constant 2 : i32
        %parallel_loop3A_345 = arith.addi %parallel_loop3A_343, %parallel_loop3A_344 : i32
        %parallel_loop3A_346 = arith.index_cast %parallel_loop3A_345 : i32 to index
        %parallel_loop3A_347 = arith.constant 16 : index
        %parallel_loop3A_348 = tpu.vector_load %arg7[%parallel_loop3A_346, %parallel_loop3A_347] {strides = array<i32>} : memref<640x32xf32, #tpu.memory_space<vmem>>, vector<1x16xf32>,
        %parallel_loop3A_349 = vector.shape_cast %parallel_loop3A_348 : vector<1x16xf32> to vector<16xf32>
        %parallel_loop3A_350 = arith.addf %parallel_loop3A_341, %parallel_loop3A_349 : vector<16xf32>
        %parallel_loop3A_351 = arith.constant 512 : i32
        %parallel_loop3A_352 = arith.addi %parallel_loop3A_351, %parallel_loop3A_82 : i32
        %parallel_loop3A_353 = arith.constant 2 : i32
        %parallel_loop3A_354 = arith.addi %parallel_loop3A_352, %parallel_loop3A_353 : i32
        %parallel_loop3A_355 = arith.index_cast %parallel_loop3A_354 : i32 to index
        %parallel_loop3A_356 = arith.constant 16 : index
        %parallel_loop3A_357 = tpu.vector_load %arg7[%parallel_loop3A_355, %parallel_loop3A_356] {strides = array<i32>} : memref<640x32xf32, #tpu.memory_space<vmem>>, vector<1x16xf32>,
        %parallel_loop3A_358 = vector.shape_cast %parallel_loop3A_357 : vector<1x16xf32> to vector<16xf32>
        %parallel_loop3A_359 = arith.addf %parallel_loop3A_350, %parallel_loop3A_358 : vector<16xf32>
        %parallel_loop3A_360 = arith.index_cast %parallel_loop3A_80 : i32 to index
        %parallel_loop3A_361 = arith.constant 80 : index
        %parallel_loop3A_362 = tpu.vector_load %arg9[%parallel_loop3A_360, %parallel_loop3A_361] {strides = array<i32>} : memref<32x128xf32, #tpu.memory_space<vmem>>, vector<1x16xf32>,
        %parallel_loop3A_363 = vector.shape_cast %parallel_loop3A_362 : vector<1x16xf32> to vector<16xf32>
        %parallel_loop3A_364 = vector.shape_cast %parallel_loop3A_359 : vector<16xf32> to vector<1x16xf32>
        tpu.vector_store %arg9[%parallel_loop3A_360, %parallel_loop3A_361], %parallel_loop3A_364 {strides = array<i32>} : memref<32x128xf32, #tpu.memory_space<vmem>>, vector<1x16xf32>,
        %parallel_loop3A_365 = arith.constant 3 : i32
        %parallel_loop3A_366 = arith.addi %parallel_loop3A_82, %parallel_loop3A_365 : i32
        %parallel_loop3A_367 = arith.index_cast %parallel_loop3A_366 : i32 to index
        %parallel_loop3A_368 = arith.constant 0 : index
        %parallel_loop3A_369 = tpu.vector_load %arg7[%parallel_loop3A_367, %parallel_loop3A_368] {strides = array<i32>} : memref<640x32xf32, #tpu.memory_space<vmem>>, vector<1x16xf32>,
        %parallel_loop3A_370 = vector.shape_cast %parallel_loop3A_369 : vector<1x16xf32> to vector<16xf32>
        %parallel_loop3A_371 = arith.constant 128 : i32
        %parallel_loop3A_372 = arith.addi %parallel_loop3A_371, %parallel_loop3A_82 : i32
        %parallel_loop3A_373 = arith.constant 3 : i32
        %parallel_loop3A_374 = arith.addi %parallel_loop3A_372, %parallel_loop3A_373 : i32
        %parallel_loop3A_375 = arith.index_cast %parallel_loop3A_374 : i32 to index
        %parallel_loop3A_376 = arith.constant 0 : index
        %parallel_loop3A_377 = tpu.vector_load %arg7[%parallel_loop3A_375, %parallel_loop3A_376] {strides = array<i32>} : memref<640x32xf32, #tpu.memory_space<vmem>>, vector<1x16xf32>,
        %parallel_loop3A_378 = vector.shape_cast %parallel_loop3A_377 : vector<1x16xf32> to vector<16xf32>
        %parallel_loop3A_379 = arith.addf %parallel_loop3A_370, %parallel_loop3A_378 : vector<16xf32>
        %parallel_loop3A_380 = arith.constant 256 : i32
        %parallel_loop3A_381 = arith.addi %parallel_loop3A_380, %parallel_loop3A_82 : i32
        %parallel_loop3A_382 = arith.constant 3 : i32
        %parallel_loop3A_383 = arith.addi %parallel_loop3A_381, %parallel_loop3A_382 : i32
        %parallel_loop3A_384 = arith.index_cast %parallel_loop3A_383 : i32 to index
        %parallel_loop3A_385 = arith.constant 0 : index
        %parallel_loop3A_386 = tpu.vector_load %arg7[%parallel_loop3A_384, %parallel_loop3A_385] {strides = array<i32>} : memref<640x32xf32, #tpu.memory_space<vmem>>, vector<1x16xf32>,
        %parallel_loop3A_387 = vector.shape_cast %parallel_loop3A_386 : vector<1x16xf32> to vector<16xf32>
        %parallel_loop3A_388 = arith.addf %parallel_loop3A_379, %parallel_loop3A_387 : vector<16xf32>
        %parallel_loop3A_389 = arith.constant 384 : i32
        %parallel_loop3A_390 = arith.addi %parallel_loop3A_389, %parallel_loop3A_82 : i32
        %parallel_loop3A_391 = arith.constant 3 : i32
        %parallel_loop3A_392 = arith.addi %parallel_loop3A_390, %parallel_loop3A_391 : i32
        %parallel_loop3A_393 = arith.index_cast %parallel_loop3A_392 : i32 to index
        %parallel_loop3A_394 = arith.constant 0 : index
        %parallel_loop3A_395 = tpu.vector_load %arg7[%parallel_loop3A_393, %parallel_loop3A_394] {strides = array<i32>} : memref<640x32xf32, #tpu.memory_space<vmem>>, vector<1x16xf32>,
        %parallel_loop3A_396 = vector.shape_cast %parallel_loop3A_395 : vector<1x16xf32> to vector<16xf32>
        %parallel_loop3A_397 = arith.addf %parallel_loop3A_388, %parallel_loop3A_396 : vector<16xf32>
        %parallel_loop3A_398 = arith.constant 512 : i32
        %parallel_loop3A_399 = arith.addi %parallel_loop3A_398, %parallel_loop3A_82 : i32
        %parallel_loop3A_400 = arith.constant 3 : i32
        %parallel_loop3A_401 = arith.addi %parallel_loop3A_399, %parallel_loop3A_400 : i32
        %parallel_loop3A_402 = arith.index_cast %parallel_loop3A_401 : i32 to index
        %parallel_loop3A_403 = arith.constant 0 : index
        %parallel_loop3A_404 = tpu.vector_load %arg7[%parallel_loop3A_402, %parallel_loop3A_403] {strides = array<i32>} : memref<640x32xf32, #tpu.memory_space<vmem>>, vector<1x16xf32>,
        %parallel_loop3A_405 = vector.shape_cast %parallel_loop3A_404 : vector<1x16xf32> to vector<16xf32>
        %parallel_loop3A_406 = arith.addf %parallel_loop3A_397, %parallel_loop3A_405 : vector<16xf32>
        %parallel_loop3A_407 = arith.index_cast %parallel_loop3A_80 : i32 to index
        %parallel_loop3A_408 = arith.constant 96 : index
        %parallel_loop3A_409 = tpu.vector_load %arg9[%parallel_loop3A_407, %parallel_loop3A_408] {strides = array<i32>} : memref<32x128xf32, #tpu.memory_space<vmem>>, vector<1x16xf32>,
        %parallel_loop3A_410 = vector.shape_cast %parallel_loop3A_409 : vector<1x16xf32> to vector<16xf32>
        %parallel_loop3A_411 = vector.shape_cast %parallel_loop3A_406 : vector<16xf32> to vector<1x16xf32>
        tpu.vector_store %arg9[%parallel_loop3A_407, %parallel_loop3A_408], %parallel_loop3A_411 {strides = array<i32>} : memref<32x128xf32, #tpu.memory_space<vmem>>, vector<1x16xf32>,
        %parallel_loop3A_412 = arith.constant 3 : i32
        %parallel_loop3A_413 = arith.addi %parallel_loop3A_82, %parallel_loop3A_412 : i32
        %parallel_loop3A_414 = arith.index_cast %parallel_loop3A_413 : i32 to index
        %parallel_loop3A_415 = arith.constant 16 : index
        %parallel_loop3A_416 = tpu.vector_load %arg7[%parallel_loop3A_414, %parallel_loop3A_415] {strides = array<i32>} : memref<640x32xf32, #tpu.memory_space<vmem>>, vector<1x16xf32>,
        %parallel_loop3A_417 = vector.shape_cast %parallel_loop3A_416 : vector<1x16xf32> to vector<16xf32>
        %parallel_loop3A_418 = arith.constant 128 : i32
        %parallel_loop3A_419 = arith.addi %parallel_loop3A_418, %parallel_loop3A_82 : i32
        %parallel_loop3A_420 = arith.constant 3 : i32
        %parallel_loop3A_421 = arith.addi %parallel_loop3A_419, %parallel_loop3A_420 : i32
        %parallel_loop3A_422 = arith.index_cast %parallel_loop3A_421 : i32 to index
        %parallel_loop3A_423 = arith.constant 16 : index
        %parallel_loop3A_424 = tpu.vector_load %arg7[%parallel_loop3A_422, %parallel_loop3A_423] {strides = array<i32>} : memref<640x32xf32, #tpu.memory_space<vmem>>, vector<1x16xf32>,
        %parallel_loop3A_425 = vector.shape_cast %parallel_loop3A_424 : vector<1x16xf32> to vector<16xf32>
        %parallel_loop3A_426 = arith.addf %parallel_loop3A_417, %parallel_loop3A_425 : vector<16xf32>
        %parallel_loop3A_427 = arith.constant 256 : i32
        %parallel_loop3A_428 = arith.addi %parallel_loop3A_427, %parallel_loop3A_82 : i32
        %parallel_loop3A_429 = arith.constant 3 : i32
        %parallel_loop3A_430 = arith.addi %parallel_loop3A_428, %parallel_loop3A_429 : i32
        %parallel_loop3A_431 = arith.index_cast %parallel_loop3A_430 : i32 to index
        %parallel_loop3A_432 = arith.constant 16 : index
        %parallel_loop3A_433 = tpu.vector_load %arg7[%parallel_loop3A_431, %parallel_loop3A_432] {strides = array<i32>} : memref<640x32xf32, #tpu.memory_space<vmem>>, vector<1x16xf32>,
        %parallel_loop3A_434 = vector.shape_cast %parallel_loop3A_433 : vector<1x16xf32> to vector<16xf32>
        %parallel_loop3A_435 = arith.addf %parallel_loop3A_426, %parallel_loop3A_434 : vector<16xf32>
        %parallel_loop3A_436 = arith.constant 384 : i32
        %parallel_loop3A_437 = arith.addi %parallel_loop3A_436, %parallel_loop3A_82 : i32
        %parallel_loop3A_438 = arith.constant 3 : i32
        %parallel_loop3A_439 = arith.addi %parallel_loop3A_437, %parallel_loop3A_438 : i32
        %parallel_loop3A_440 = arith.index_cast %parallel_loop3A_439 : i32 to index
        %parallel_loop3A_441 = arith.constant 16 : index
        %parallel_loop3A_442 = tpu.vector_load %arg7[%parallel_loop3A_440, %parallel_loop3A_441] {strides = array<i32>} : memref<640x32xf32, #tpu.memory_space<vmem>>, vector<1x16xf32>,
        %parallel_loop3A_443 = vector.shape_cast %parallel_loop3A_442 : vector<1x16xf32> to vector<16xf32>
        %parallel_loop3A_444 = arith.addf %parallel_loop3A_435, %parallel_loop3A_443 : vector<16xf32>
        %parallel_loop3A_445 = arith.constant 512 : i32
        %parallel_loop3A_446 = arith.addi %parallel_loop3A_445, %parallel_loop3A_82 : i32
        %parallel_loop3A_447 = arith.constant 3 : i32
        %parallel_loop3A_448 = arith.addi %parallel_loop3A_446, %parallel_loop3A_447 : i32
        %parallel_loop3A_449 = arith.index_cast %parallel_loop3A_448 : i32 to index
        %parallel_loop3A_450 = arith.constant 16 : index
        %parallel_loop3A_451 = tpu.vector_load %arg7[%parallel_loop3A_449, %parallel_loop3A_450] {strides = array<i32>} : memref<640x32xf32, #tpu.memory_space<vmem>>, vector<1x16xf32>,
        %parallel_loop3A_452 = vector.shape_cast %parallel_loop3A_451 : vector<1x16xf32> to vector<16xf32>
        %parallel_loop3A_453 = arith.addf %parallel_loop3A_444, %parallel_loop3A_452 : vector<16xf32>
        %parallel_loop3A_454 = arith.index_cast %parallel_loop3A_80 : i32 to index
        %parallel_loop3A_455 = arith.constant 112 : index
        %parallel_loop3A_456 = tpu.vector_load %arg9[%parallel_loop3A_454, %parallel_loop3A_455] {strides = array<i32>} : memref<32x128xf32, #tpu.memory_space<vmem>>, vector<1x16xf32>,
        %parallel_loop3A_457 = vector.shape_cast %parallel_loop3A_456 : vector<1x16xf32> to vector<16xf32>
        %parallel_loop3A_458 = vector.shape_cast %parallel_loop3A_453 : vector<16xf32> to vector<1x16xf32>
        tpu.vector_store %arg9[%parallel_loop3A_454, %parallel_loop3A_455], %parallel_loop3A_458 {strides = array<i32>} : memref<32x128xf32, #tpu.memory_space<vmem>>, vector<1x16xf32>,
      } {sc.loop_unroll_factor = 4 : i64, sc.parallel_access}
      %mul3A_73 = arith.constant 32 : i32
      %mul3A_74 = arith.muli %add3A_64, %mul3A_73 : i32
      %add3A_75 = arith.addi %mul3A_4, %mul3A_74 : i32
      %dma_start3A_76 = arith.constant 0 : i32
      %dma_start3A_77 = tpu.memref_slice %arg4[%add3A_75, %dma_start3A_76] : memref<16384x128xf32, #tpu.memory_space<hbm>> -> memref<32x128xf32, #tpu.memory_space<hbm>>
      %dma_start3A_78 = arith.constant 0 : i32
      %dma_start3A_79 = tpu.memref_slice %arg4[%add3A_75, %dma_start3A_78] : memref<16384x128xf32, #tpu.memory_space<hbm>> -> memref<32x128xf32, #tpu.memory_space<hbm>>
      tpu.enqueue_dma source(%arg9 : memref<32x128xf32, #tpu.memory_space<vmem>>) target(%dma_start3A_79 : memref<32x128xf32, #tpu.memory_space<hbm>>) target_semaphore(%arg14 : memref<!tpu.dma_semaphore, #tpu.memory_space<semaphore_mem>>)
    }
    %scan3A_17 = arith.constant 8 : i32
    %dma_wait3A = arith.constant 0 : i32
    %dma_wait3A_18 = tpu.memref_slice %arg4[%mul3A_4, %dma_wait3A] : memref<16384x128xf32, #tpu.memory_space<hbm>> -> memref<32x128xf32, #tpu.memory_space<hbm>>
    %dma_wait3A_19 = arith.constant 0 : i32
    %dma_wait3A_20 = tpu.memref_slice %arg4[%mul3A_4, %dma_wait3A_19] : memref<16384x128xf32, #tpu.memory_space<hbm>> -> memref<32x128xf32, #tpu.memory_space<hbm>>
    tpu.wait_dma2 semaphore(%arg13 : memref<!tpu.dma_semaphore, #tpu.memory_space<semaphore_mem>>) src(%arg8 : memref<32x128xf32, #tpu.memory_space<vmem>>) dst(%dma_wait3A_20 : memref<32x128xf32, #tpu.memory_space<hbm>>)
    %dma_wait3A_21 = arith.constant 0 : i32
    %dma_wait3A_22 = tpu.memref_slice %arg4[%mul3A_4, %dma_wait3A_21] : memref<16384x128xf32, #tpu.memory_space<hbm>> -> memref<32x128xf32, #tpu.memory_space<hbm>>
    %dma_wait3A_23 = arith.constant 0 : i32
    %dma_wait3A_24 = tpu.memref_slice %arg4[%mul3A_4, %dma_wait3A_23] : memref<16384x128xf32, #tpu.memory_space<hbm>> -> memref<32x128xf32, #tpu.memory_space<hbm>>
    tpu.wait_dma2 semaphore(%arg14 : memref<!tpu.dma_semaphore, #tpu.memory_space<semaphore_mem>>) src(%arg9 : memref<32x128xf32, #tpu.memory_space<vmem>>) dst(%dma_wait3A_24 : memref<32x128xf32, #tpu.memory_space<hbm>>)
    return
  }
}

module attributes {stable_mosaic.version = 14 : i64} {
  func.func @_proj_body(%arg0: i32, %arg1: memref<1024x512xf32, #tpu.memory_space<vmem>>, %arg2: memref<1x512x128xf32, #tpu.memory_space<vmem>>, %arg3: memref<1056x128xf32, #tpu.memory_space<vmem>>) attributes {dimension_semantics = [#tpu.dimension_semantics<arbitrary>], iteration_bounds = array<i64: 5>, scalar_prefetch = 0 : i64, scratch_operands = 0 : i64, tpu.core_type = #tpu.core_type<tc>, window_params = [{pipeline_mode = #tpu.pipeline_mode<synchronous>, transform_indices = @transform_0, window_bounds = array<i64: 1024, 512>}, {transform_indices = @transform_1, window_bounds = array<i64: 1, 512, 128>}, {transform_indices = @transform_2, window_bounds = array<i64: 1056, 128>}]} {
    %get3A = arith.constant 0 : index
    %get3A_0 = arith.constant 0 : index
    %get3A_1 = vector.load %arg1[%get3A, %get3A_0] : memref<1024x512xf32, #tpu.memory_space<vmem>>, vector<1024x512xf32>
    %get3A_2 = arith.constant 0 : index
    %get3A_3 = arith.constant 0 : index
    %get3A_4 = arith.constant 0 : index
    %get3A_5 = vector.load %arg2[%get3A_2, %get3A_3, %get3A_4] : memref<1x512x128xf32, #tpu.memory_space<vmem>>, vector<1x512x128xf32>
    %get3A_6 = vector.shape_cast %get3A_5 : vector<1x512x128xf32> to vector<512x128xf32>
    %dot_general3A = arith.constant dense<0.000000e+00> : vector<1024x128xf32>
    %dot_general3A_7 = tpu.matmul %get3A_1, %get3A_6, %dot_general3A {dimension_numbers = #tpu.dot_dimension_numbers<[1], [0], [0], [1], [0, 0, 1, 1], [], []>, transpose_lhs_hint = false} : vector<1024x512xf32>, vector<512x128xf32>, vector<1024x128xf32> -> vector<1024x128xf32>
    %swap3A = arith.constant 0 : index
    %swap3A_8 = arith.constant 0 : index
    %swap3A_9 = vector.load %arg3[%swap3A, %swap3A_8] : memref<1056x128xf32, #tpu.memory_space<vmem>>, vector<1024x128xf32>
    tpu.vector_store %arg3[%swap3A, %swap3A_8], %dot_general3A_7 {strides = array<i32>} : memref<1056x128xf32, #tpu.memory_space<vmem>>, vector<1024x128xf32>,
    %broadcast_in_dim3A = arith.constant 0.000000e+00 : f32
    %broadcast_in_dim3A_10 = vector.broadcast %broadcast_in_dim3A : f32 to vector<32x128xf32>
    %swap3A_11 = arith.constant 1024 : index
    %swap3A_12 = arith.constant 0 : index
    %swap3A_13 = vector.load %arg3[%swap3A_11, %swap3A_12] : memref<1056x128xf32, #tpu.memory_space<vmem>>, vector<32x128xf32>
    tpu.vector_store %arg3[%swap3A_11, %swap3A_12], %broadcast_in_dim3A_10 {strides = array<i32>} : memref<1056x128xf32, #tpu.memory_space<vmem>>, vector<32x128xf32>,
    return
  }
  func.func @transform_0(%arg0: i32) -> (i32, i32) {
    %c0_i32 = arith.constant 0 : i32
    %c0_i32_0 = arith.constant 0 : i32
    %c0_i32_1 = arith.constant 0 : i32
    return %c0_i32, %c0_i32_0 : i32, i32
  }
  func.func @transform_1(%arg0: i32) -> (i32, i32, i32) {
    %c0_i32 = arith.constant 0 : i32
    %c0_i32_0 = arith.constant 0 : i32
    %c0_i32_1 = arith.constant 0 : i32
    return %arg0, %c0_i32, %c0_i32_0 : i32, i32, i32
  }
  func.func @transform_2(%arg0: i32) -> (i32, i32) {
    %c0_i32 = arith.constant 0 : i32
    %c0_i32_0 = arith.constant 0 : i32
    return %arg0, %c0_i32 : i32, i32
  }
}

</mosaic_0001>

<sc_bundles>
// kernel: kernel.4.cloned.1.call-start
scs
__scs_entry_jumppad:
0x0: {  	(pc) =	sbr.rel $0x88, $3  }
0x1: {  	(tag) =	ssettag $0x0;
	lr =	simm.s32 $0x1  }
0x2: {  	[smem:$0x3F9D] =	sst lr;
	_ =	strace $0xD0000000  }
0x3: {  	_ = 	snop  }
0x4: {  	_ = 	snop  }
0x5: {  	_ = 	snop  }
0x6: {  	_ = 	snop  }
0x7: {  	_ = 	snop  }
__scs_overlays_trampoline_lowered:
0x8: {  	[smem:$0x3FAC] =	sst s0  }
0x9: {  	[smem:$0x3FAD] =	sst s1  }
0xa: {  	[smem:$0x3FAE] =	sst s2  }
0xb: {  	[smem:$0x3FAF] =	sst s3  }
0xc: {  	[smem:$0x3FB0] =	sst s4  }
0xd: {  	[smem:$0x3FB1] =	sst s5  }
0xe: {  	[smem:$0x3FB2] =	sst s6  }
0xf: {  	[smem:$0x3FB3] =	sst s7  }
0x10: {  	[smem:$0x3FB4] =	sst s8  }
0x11: {  	[smem:$0x3FB5] =	sst s9;
	s0 =	simm.s32 @!p0 $0x0  }
0x12: {  	s1 =	sld [smem:$0x3F9B];
	s0 =	simm.s32 @p0 $0x1  }
0x13: {  	[smem:$0x3FB6] =	sst s0;
	s0 =	simm.s32 @!p1 $0x0  }
0x14: {  	s2 =	sld [smem:$0x3F9A];
	s0 =	simm.s32 @p1 $0x1  }
0x15: {  	[smem:$0x3FB7] =	sst s0;
	s0 =	simm.s32 @!p2 $0x0  }
0x16: {  	s3 =	sld [smem:$0x3FDB];
	s0 =	simm.s32 @p2 $0x1  }
0x17: {  	s4 =	simm.s32 $0x1BF5;
	[smem:$0x3FB9] =	sst s0  }
0x18: {  	s0 =	sld [smem:$0x3F9C];
	_ =	swait.ge [sflag:s4], $0x0  }
0x19: {  	s7 =	sld [smem:$0x3F9D]  }
0x1a: {  	s8 =	sadd.s32 $0xFFFFE003, lr  }
0x1b: {  	s9 =	sadd.s32 $0xFFFFFEF7, lr;
	s5 =	simm.s32 $0xFFFFFFFF;
	p2 =	slt.u32 s8, $0xFFFFF086  }
0x1c: {  	p1 =	slt.u32 s9, $0xF7A;
	s5 =	simm.s32 @!p2 $0x0  }
0x1d: {  	s5 =	simm.s32 @p1 $0x1;
	p0 =	seq.s32 s7, s2  }
0x1e: {  	s7 =	smul.u32 @!p0 $0xF7A, s2;
	p2 =	seq.s32 @!p0 s5, $0x0  }
0x1f: {  	s9 =	smul.u32 $0xF7A, s1;
	s8 =	simm.s32 @!p0 $0x1BF5;
	p2 =	por !p2, p0  }
0x20: {  	[sflag:s8] =	ssyncset.s32 @!p0 $0xFFFFF086;
	s6 =	sadd.s32 @!p0 s3, s7;
	s7 =	simm.s32 @!p0 $0x108  }
0x21: {  	s3 =	sadd.s32 s3, s9;
	s6 =	sadd.s32 @!p0 $0x88, s6;
	s7 =	simm.s32 @p2 $0x1082  }
0x22: {  	[simem:s7], [sflag:s8] =	dma.local @!p0 [hbm:s6], $0xF7A  }
0x23: {  	s9 =	sor.u32 $0xD0000000, s2;
	s6 =	simm.s32 $0x108;
	_ =	swait.ge @!p0 [sflag:s8], $0x0  }
0x24: {  	s3 =	sadd.s32 $0x88, s3;
	s6 =	simm.s32 @!p1 $0x1082;
	[sflag:s4] =	ssyncset.s32 $0xFFFFF086  }
0x25: {  	[simem:s6], [sflag:s4] =	dma.local [hbm:s3], $0xF7A  }
0x26: {  	[smem:$0x3F9D] =	sst s1;
	(tag) =	ssettag s2;
	_ =	strace s9  }
0x27: {  	s1 =	sld [smem:$0x3FAD]  }
0x28: {  	s2 =	sld [smem:$0x3FAE]  }
0x29: {  	s4 =	sld [smem:$0x3FB0]  }
0x2a: {  	p0 =	seq.s32 s5, $0x0;
	s5 =	sld [smem:$0x3FB1]  }
0x2b: {  	s6 =	sld [smem:$0x3FB2]  }
0x2c: {  	s7 =	sld [smem:$0x3FB3]  }
0x2d: {  	s3 =	simm.s32 $0x108;
	s8 =	sld [smem:$0x3FB4]  }
0x2e: {  	s3 =	simm.s32 @!p0 $0x1082;
	s9 =	sld [smem:$0x3FB5]  }
0x2f: {  	lr =	sadd.s32 s0, s3;
	s0 =	sld [smem:$0x3FAC]  }
0x30: {  	s3 =	sld [smem:$0x3FAF]  }
0x31: {  	[smem:$0x3FB8] =	sst s10  }
0x32: {  	s10 =	sld [smem:$0x3FB6];
	_ =	sdelay $0x3  }
0x33: {  	p0 =	seq.s32 s10, $0x1;
	s10 =	sld [smem:$0x3FB8];
	_ =	sdelay $0x3  }
0x34: {  	[smem:$0x3FB8] =	sst s10  }
0x35: {  	s10 =	sld [smem:$0x3FB7];
	_ =	sdelay $0x3  }
0x36: {  	p1 =	seq.s32 s10, $0x1;
	s10 =	sld [smem:$0x3FB8];
	_ =	sdelay $0x3  }
0x37: {  	[smem:$0x3FB8] =	sst s10  }
0x38: {  	s10 =	sld [smem:$0x3FB9]  }
0x39: {  	_ = 	snop;
	(pc) =	sbr.ind lr, $3  }
0x3a: {  	_ = 	snop  }
0x3b: {  	_ = 	snop  }
0x3c: {  	p2 =	seq.s32 s10, $0x1;
	s10 =	sld [smem:$0x3FB8]  }
0x3d: {  	_ =	shalt  }
0x3e: {  	_ =	shalt  }
0x3f: {  	_ =	shalt  }
0x40: {  	_ =	shalt  }
0x41: {  	_ =	shalt  }
0x42: {  	_ =	shalt  }
0x43: {  	_ =	shalt  }
0x44: {  	_ =	shalt  }
0x45: {  	_ =	shalt  }
0x46: {  	_ =	shalt  }
0x47: {  	_ =	shalt  }
0x48: {  	_ =	shalt  }
0x49: {  	_ =	shalt  }
0x4a: {  	_ =	shalt  }
0x4b: {  	_ =	shalt  }
0x4c: {  	_ =	shalt  }
0x4d: {  	_ =	shalt  }
0x4e: {  	_ =	shalt  }
0x4f: {  	_ =	shalt  }
0x50: {  	_ =	shalt  }
0x51: {  	_ =	shalt  }
0x52: {  	_ =	shalt  }
0x53: {  	_ =	shalt  }
0x54: {  	_ =	shalt  }
0x55: {  	_ =	shalt  }
0x56: {  	_ =	shalt  }
0x57: {  	_ =	shalt  }
0x58: {  	_ =	shalt  }
0x59: {  	_ =	shalt  }
0x5a: {  	_ =	shalt  }
0x5b: {  	_ =	shalt  }
0x5c: {  	_ =	shalt  }
0x5d: {  	_ =	shalt  }
0x5e: {  	_ =	shalt  }
0x5f: {  	_ =	shalt  }
0x60: {  	_ =	shalt  }
0x61: {  	_ =	shalt  }
0x62: {  	_ =	shalt  }
0x63: {  	_ =	shalt  }
0x64: {  	_ =	shalt  }
0x65: {  	_ =	shalt  }
0x66: {  	_ =	shalt  }
0x67: {  	_ =	shalt  }
0x68: {  	_ =	shalt  }
0x69: {  	_ =	shalt  }
0x6a: {  	_ =	shalt  }
0x6b: {  	_ =	shalt  }
0x6c: {  	_ =	shalt  }
0x6d: {  	_ =	shalt  }
0x6e: {  	_ =	shalt  }
0x6f: {  	_ =	shalt  }
0x70: {  	_ =	shalt  }
0x71: {  	_ =	shalt  }
0x72: {  	_ =	shalt  }
0x73: {  	_ =	shalt  }
0x74: {  	_ =	shalt  }
0x75: {  	_ =	shalt  }
0x76: {  	_ =	shalt  }
0x77: {  	_ =	shalt  }
0x78: {  	_ =	shalt  }
0x79: {  	_ =	shalt  }
0x7a: {  	_ =	shalt  }
0x7b: {  	_ =	shalt  }
0x7c: {  	_ =	shalt  }
0x7d: {  	_ =	shalt  }
0x7e: {  	_ =	shalt  }
0x7f: {  	_ =	shalt  }
0x80: {  	_ =	shalt  }
0x81: {  	_ =	shalt  }
0x82: {  	_ =	shalt  }
0x83: {  	_ =	shalt  }
0x84: {  	_ =	shalt  }
0x85: {  	_ =	shalt  }
0x86: {  	_ =	shalt  }
0x87: {  	_ =	shalt  }
.Lfunc_end0:
.L_simem_size_0:
called_computation_lowered:
.L_overlay_start_0:
0x88: {  	s2 =	sld [smem:$0x3FD9]  }
0x89: {  	s3 =	sld [smem:$0x3FFE];
	_ =	sdelay $0x1  }
0x8a: {  	s1 =	srdreg.scid  }
0x8b: {  	s0 =	sand.u32 $0x1, s1  }
0x8c: {  	s17 =	sshll.u32 s0, $0xA;
	s2 =	sadd.s32 s3, s2  }
0x8d: {  	s2 =	sadd.s32 s2, s17  }
0x8e: {  	[smem:$0x3FC4] =	sst s2  }
0x8f: {  	_ = 	snop  }
0x90: {  	s2 =	sld [smem:$0x3FD0];
	(tm) =	ssettm $0x1  }
0x91: {  	s18 =	sld [smem:$0x3FFB];
	_ =	sdelay $0x3  }
0x92: {  	_ =	strace s18  }
0x93: {  	s3 =	sld [smem:$0x3FFC];
	_ =	sdelay $0x3  }
0x94: {  	_ =	strace s3  }
0x95: {  	s3 =	sld [smem:$0x3FFD];
	_ =	sdelay $0x3  }
0x96: {  	_ =	strace s3  }
0x97: {  	_ =	strace $0x8FFFFFFF  }
0x98: {  	s19 =	sld [smem:$0x3FDB];
	_ =	sdelay $0x1  }
0x99: {  	s4 =	simm.s32 $_scs_section_size  }
0x9a: {  	s5 =	simm.s32 $_size__tile_overlayer_lowered;
	s6 =	simm.s32 $_tile_overlayer_lowered  }
0x9b: {  	s22 =	simm.s32 $0x1BFF;
	s21 =	sshll.u32 s6, $0x1;
	s3 =	sadd.s32 s4, s19  }
0x9c: {  	s7 =	simm.s32 $0x0;
	s20 =	sshll.u32 s5, $0x1;
	s5 =	sadd.s32 s21, s3  }
0x9d: {  	[timem:s7], [sflag:s22] =	dma.local [hbm:s5], s20  }
0x9e: {  	_ =	swait.ge [sflag:s22], s20  }
0x9f: {  	s4 =	ssub.s32 $0x0, s20;
	[sflag:s22] =	ssyncset.done $0x0  }
0xa0: {  	[sflag:s22] =	ssyncadd.s32 s4;
	_ =	sdelay $0x1  }
0xa1: {  	s23 =	simm.s32 $0x1B8B  }
0xa2: {  	_ =	swait.ge [sflag:s23], $0x1  }
0xa3: {  	[sflag:s23] =	ssyncset.done $0x0  }
0xa4: {  	s25 =	simm.s32 $0x1B8E;
	s24 =	sld [smem:$0x3FFE];
	[sflag:s23] =	ssyncadd.s32 $0xFFFFFFFF  }
0xa5: {  	s26 =	simm.s32 $execute0_lowered;
	[smem:$0x3FD2] =	sst s25  }
0xa6: {  	s5 =	sshll.u32 s26, $0x1;
	_ =	strace $0x80000046;
	[dreg:$0x1] =	wrdreg $0xFFFFFFFF  }
0xa7: {  	s28 =	simm.s32 $_size_execute0_lowered;
	s3 =	sadd.s32 s3, s5;
	[dreg:$0x0] =	wrdreg $0x0  }
0xa8: {  	s5 =	sshll.u32 s28, $0x1;
	[dreg:$0x2] =	wrdreg s3  }
0xa9: {  	[dreg:$0x3] =	wrdreg s5  }
0xaa: {  	[dreg:$0x4] =	wrdreg $0xC0  }
0xab: {  	_ =	task [dreg:s7], $0x5FFFF  }
0xac: {  	[dreg:$0x1] =	wrdreg $0xFFFFFFFF  }
0xad: {  	[dreg:$0x0] =	wrdreg $0x60  }
0xae: {  	[dreg:$0x2] =	wrdreg s24  }
0xaf: {  	[dreg:$0x3] =	wrdreg s2  }
0xb0: {  	[dreg:$0x4] =	wrdreg $0xE8000  }
0xb1: {  	[dreg:$0x5] =	wrdreg $0x9  }
0xb2: {  	_ =	task.clear_ibuf [dreg:s7], $0x6FFFF;
	_ =	strace $0x90000046  }
0xb3: {  	s29 =	simm.s32 $0x9;
	_ =	strace $0x80000048  }
0xb4: {  	_ =	swait.ge [sflag:s29], $0x1  }
0xb5: {  	[sflag:s29] =	ssyncadd.s32 $0xFFFFFFFF  }
0xb6: {  	_ =	strace $0x90000048  }
0xb7: {  	_ =	sfence  }
0xb8: {  	s30 =	sld [smem:$0x0];
	_ =	sdelay $0x2  }
0xb9: {  	s31 =	sshll.u32 s1, $0xD;
	s1 =	sshrl.u32 s1, $0x2  }
0xba: {  	s3 =	sand.u32 $0x4000, s31;
	s1 =	sadd.s32 s1, s30  }
0xbb: {  	s0 =	sor.u32 s3, s0;
	s1 =	sshll.u32 s1, $0x11  }
0xbc: {  	s0 =	sor.u32 s1, s0  }
0xbd: {  	s0 =	sadd.s32 $0x8F2B, s0  }
0xbe: {  	[sflag:s0] =	ssyncadd.remote.s32 $0x1  }
0xbf: {  	_ =	sfence.sel $0xFFFF  }
0xc0: {  	[dreg:$0x0] =	wrdreg $0xFFFFFFFF;
	(pc) =	sbr.abs _section_cstart, $3  }
0xc1: {  	[dreg:$0x1] =	wrdreg $0xFFFFFFFF  }
0xc2: {  	_ =	task.clear_ibuf [dreg:s7], $0x2FFFF;
	_ =	strace $0x9FFFFFFF  }
0xc3: {  	(tm) =	ssettm $0x7FFFFFFF  }
tec
execute0_lowered:
.L_overlay_start_1:
0x0: {  	(tag) =	ssettag $0x1  }
0x1: {  	s5 =	rddreg [dreg:$0x0]  }
0x2: {  	s7 =	rddreg [dreg:$0x1]  }
0x3: {  	s1 =	srdreg.scid;
	s0 =	stileid.u32  }
0x4: {  	s2 =	rddreg [dreg:$0x2];
	s3 =	simm.s32 $0x0;
	s14 =	simm.s32 $0x7800  }
0x5: {  	s15 =	simm.s32 $0x1;
	s16 =	simm.s32 $0xC800;
	s17 =	simm.s32 $0x2  }
0x6: {  	s18 =	simm.s32 $0x4;
	s19 =	simm.s32 $0xD800;
	s20 =	simm.s32 $0x3  }
0x7: {  	s21 =	simm.s32 $0x0;
	s4 =	sand.u32 $0x1, s1;
	s1 =	rddreg [dreg:$0x3]  }
0x8: {  	s6 =	sshll.u32 s0, $0x1;
	[smem:$0x7FF] =	sst s3;
	s11 =	smul.u32 $0xA500, s0  }
0x9: {  	s12 =	sshll.u32 s0, $0x6;
	s6 =	sor.u32 s4, s6;
	s9 =	ssub.s32 $0x2, s4  }
0xa: {  	_ =	strace $0x80000047;
	s4 =	sadd.s32 $0xAE00, s5;
	s12 =	sor.u32 $0x1C05, s12  }
0xb: {  	s8 =	smul.u32 $0x500, s6;
	s10 =	sshrl.u32 s9, $0x1;
	s30 =	sshll.u32 s6, $0xD  }
0xc: {  	s31 =	sshrl.u32 s11, $0x3;
	s13 =	sadd.s32 s11, s2;
	s11 =	simm.s32 $0x2800  }
0xd: {  	s29 =	ssub.s32 s9, s10;
	s6 =	sadd.s32 s4, s31;
	s7 =	sadd.s32 s7, s30  }
0xe: {  	s9 =	simm.s32 $0x5;
	s10 =	simm.s32 $0x280;
	s5 =	sadd.s32 s8, s5  }
0xf: {  	s13 =	sshrl.u32 s13, $0x3;
	s8 =	smax.u32 s29, $0x1;
	s5 =	sadd.s32 $0xE00, s5  }
.LBB2_1:
0x10: {  	[tilespmem:s3], [sflag:$0x5] =	stream.linear.gather [hbm4b:s5+s3], $0x2800, $0x38;
	[tilespmem:$0x18D00] =	vst v63  }
0x11: {  	_ =	swait.ge [sflag:s9], $0x2800  }
0x12: {  	[sflag:s9] =	ssyncset.done $0x0  }
0x13: {  	[sflag:s9] =	ssyncadd.s32 $0xFFFFD800  }
0x14: {  	[tilespmem:s11], [sflag:$0x1] =	stream.indirect.gather [hbm4b:s4+s10], $0x20, s3, s10, $0xb8;
	[tilespmem:$0x18D00] =	vst v63  }
0x15: {  	[spmem:s13], [sflag:s12] =	dma.local [hbm:s6], $0x14A0  }
0x16: {  	_ =	swait.ge [sflag:s9], $0x14A0  }
0x17: {  	[sflag:s9] =	ssyncset.done $0x0  }
0x18: {  	[sflag:s9] =	ssyncadd.s32 $0xFFFFEB60  }
0x19: {  	s22 =	simm.s32 $0x0;
	[bflag:$0x0] =	sbarrier.arrive $0xFFFF  }
.LBB2_2:
0x1a: {  	s23 =	sshllo.u32 s22, $0x1  }
0x1b: {  	s24 =	smul.u32 $0xA00, s23;
	_ =	sdelay $0x1  }
0x1c: {  	s24 =	sshra.s32 s24, $0x2  }
0x1d: {  	[tilespmem:s14], [sflag:$0x2] =	stream.indirect.gather [spmem:s2], $0x20, s24, s10, $0xb8;
	[tilespmem:$0x18D00] =	vst v63  }
0x1e: {  	_ =	swait.ge [sflag:s15], $0x5000  }
0x1f: {  	p0 =	seq.s32 s22, $0x0;
	[sflag:s15] =	ssyncset.done $0x0  }
0x20: {  	s24 =	simm.s32 @!p0 $0x3;
	[sflag:s15] =	ssyncadd.s32 $0xFFFFB000  }
0x21: {  	_ =	swait.ge @!p0 [sflag:s24], $0x1000  }
0x22: {  	[sflag:s24] =	ssyncset.done @!p0 $0x0  }
0x23: {  	[sflag:s24] =	ssyncadd.s32 @!p0 $0xFFFFF000;
	s24 =	simm.s32 $0x0  }
0x24: {  	v0 =	vld [tilespmem:s24+$0x29F0]  }
0x25: {  	v1 =	vld [tilespmem:s24+$0x39F0]  }
0x26: {  	v2 =	vld [tilespmem:s24+$0x2800]  }
0x27: {  	v3 =	vld [tilespmem:s24+$0x49F0]  }
0x28: {  	v4 =	vld [tilespmem:s24+$0x3800]  }
0x29: {  	v5 =	vld [tilespmem:s24+$0x59F0]  }
0x2a: {  	v6 =	vld [tilespmem:s24+$0x2810]  }
0x2b: {  	v7 =	vld [tilespmem:s24+$0x69F0]  }
0x2c: {  	v9 =	vld [tilespmem:s24+$0x3810]  }
0x2d: {  	v8 =	vld [tilespmem:s24+$0x2820]  }
0x2e: {  	v10 =	vld [tilespmem:s24+$0x3820]  }
0x2f: {  	v11 =	vld [tilespmem:s24+$0x2830]  }
0x30: {  	v12 =	vld [tilespmem:s24+$0x3830]  }
0x31: {  	v13 =	vld [tilespmem:s24+$0x2840]  }
0x32: {  	v16 =	vld [tilespmem:s24+$0x2870]  }
0x33: {  	v14 =	vld [tilespmem:s24+$0x3840]  }
0x34: {  	v15 =	vld [tilespmem:s24+$0x2850]  }
0x35: {  	v18 =	vld [tilespmem:s24+$0x3850]  }
0x36: {  	v17 =	vld [tilespmem:s24+$0x2860]  }
0x37: {  	v42 =	vld [tilespmem:s24+$0x3860];
	[tilespmem:$0x1FD20] =	vst v16  }
0x38: {  	v16 =	vld [tilespmem:s24+$0x3870];
	_ =	sdelay $0x4  }
0x39: {  	[tilespmem:$0x1FD30] =	vst v16  }
0x3a: {  	v16 =	vld [tilespmem:s24+$0x2880];
	_ =	sdelay $0x4  }
0x3b: {  	[tilespmem:$0x1FD40] =	vst v16  }
0x3c: {  	v16 =	vld [tilespmem:s24+$0x3880];
	_ =	sdelay $0x4  }
0x3d: {  	[tilespmem:$0x1FD50] =	vst v16  }
0x3e: {  	v16 =	vld [tilespmem:s24+$0x2890];
	_ =	sdelay $0x4  }
0x3f: {  	[tilespmem:$0x1FD60] =	vst v16  }
0x40: {  	v16 =	vld [tilespmem:s24+$0x3890];
	_ =	sdelay $0x4  }
0x41: {  	[tilespmem:$0x1FD70] =	vst v16  }
0x42: {  	v16 =	vld [tilespmem:s24+$0x28A0];
	_ =	sdelay $0x4  }
0x43: {  	[tilespmem:$0x1FD80] =	vst v16  }
0x44: {  	v16 =	vld [tilespmem:s24+$0x38A0];
	_ =	sdelay $0x4  }
0x45: {  	[tilespmem:$0x1FD90] =	vst v16  }
0x46: {  	v16 =	vld [tilespmem:s24+$0x28B0];
	_ =	sdelay $0x4  }
0x47: {  	[tilespmem:$0x1FDA0] =	vst v16  }
0x48: {  	v16 =	vld [tilespmem:s24+$0x38B0];
	_ =	sdelay $0x4  }
0x49: {  	[tilespmem:$0x1FDB0] =	vst v16  }
0x4a: {  	v16 =	vld [tilespmem:s24+$0x28C0];
	_ =	sdelay $0x4  }
0x4b: {  	[tilespmem:$0x1FDC0] =	vst v16  }
0x4c: {  	v16 =	vld [tilespmem:s24+$0x38C0];
	_ =	sdelay $0x4  }
0x4d: {  	[tilespmem:$0x1FDD0] =	vst v16  }
0x4e: {  	v16 =	vld [tilespmem:s24+$0x28D0];
	_ =	sdelay $0x4  }
0x4f: {  	[tilespmem:$0x1FDE0] =	vst v16  }
0x50: {  	v16 =	vld [tilespmem:s24+$0x38D0];
	_ =	sdelay $0x4  }
0x51: {  	[tilespmem:$0x1FDF0] =	vst v16  }
0x52: {  	v16 =	vld [tilespmem:s24+$0x28E0];
	_ =	sdelay $0x4  }
0x53: {  	[tilespmem:$0x1FE00] =	vst v16  }
0x54: {  	v16 =	vld [tilespmem:s24+$0x38E0];
	_ =	sdelay $0x4  }
0x55: {  	[tilespmem:$0x1FE10] =	vst v16  }
0x56: {  	v16 =	vld [tilespmem:s24+$0x28F0];
	_ =	sdelay $0x4  }
0x57: {  	[tilespmem:$0x1FE20] =	vst v16  }
0x58: {  	v16 =	vld [tilespmem:s24+$0x38F0];
	_ =	sdelay $0x4  }
0x59: {  	[tilespmem:$0x1FE30] =	vst v16  }
0x5a: {  	v16 =	vld [tilespmem:s24+$0x2900];
	_ =	sdelay $0x4  }
0x5b: {  	[tilespmem:$0x1FE40] =	vst v16  }
0x5c: {  	v16 =	vld [tilespmem:s24+$0x3900];
	_ =	sdelay $0x4  }
0x5d: {  	[tilespmem:$0x1FE50] =	vst v16  }
0x5e: {  	v16 =	vld [tilespmem:s24+$0x2910];
	_ =	sdelay $0x4  }
0x5f: {  	[tilespmem:$0x1FE60] =	vst v16  }
0x60: {  	v16 =	vld [tilespmem:s24+$0x2920];
	_ =	sdelay $0x4  }
0x61: {  	v41 =	vld [tilespmem:s24+$0x3910];
	[tilespmem:$0x1FE70] =	vst v16  }
0x62: {  	v16 =	vld [tilespmem:s24+$0x3920];
	_ =	sdelay $0x4  }
0x63: {  	[tilespmem:$0x1FE80] =	vst v16  }
0x64: {  	v16 =	vld [tilespmem:s24+$0x2930];
	_ =	sdelay $0x4  }
0x65: {  	[tilespmem:$0x1FE90] =	vst v16  }
0x66: {  	v40 =	vld [tilespmem:s24+$0x3930]  }
0x67: {  	v44 =	vld [tilespmem:s24+$0x2940]  }
0x68: {  	v37 =	vld [tilespmem:s24+$0x3940]  }
0x69: {  	v45 =	vld [tilespmem:s24+$0x2950]  }
0x6a: {  	v32 =	vld [tilespmem:s24+$0x3950]  }
0x6b: {  	v46 =	vld [tilespmem:s24+$0x2960]  }
0x6c: {  	v29 =	vld [tilespmem:s24+$0x3960]  }
0x6d: {  	v47 =	vld [tilespmem:s24+$0x2970]  }
0x6e: {  	v24 =	vld [tilespmem:s24+$0x3970]  }
0x6f: {  	v48 =	vld [tilespmem:s24+$0x2980]  }
0x70: {  	v49 =	vld [tilespmem:s24+$0x3980]  }
0x71: {  	v50 =	vld [tilespmem:s24+$0x2990]  }
0x72: {  	v51 =	vld [tilespmem:s24+$0x3990]  }
0x73: {  	v52 =	vld [tilespmem:s24+$0x29A0]  }
0x74: {  	v53 =	vld [tilespmem:s24+$0x39A0]  }
0x75: {  	v54 =	vld [tilespmem:s24+$0x29B0]  }
0x76: {  	v55 =	vld [tilespmem:s24+$0x39B0]  }
0x77: {  	v56 =	vld [tilespmem:s24+$0x29C0]  }
0x78: {  	v57 =	vld [tilespmem:s24+$0x39C0]  }
0x79: {  	v58 =	vld [tilespmem:s24+$0x29D0]  }
0x7a: {  	v59 =	vld [tilespmem:s24+$0x39D0]  }
0x7b: {  	v60 =	vld [tilespmem:s24+$0x29E0]  }
0x7c: {  	v61 =	vld [tilespmem:s24+$0x39E0]  }
0x7d: {  	v62 =	vld [tilespmem:s24+$0x4800]  }
0x7e: {  	v63 =	vld [tilespmem:s24+$0x4810]  }
0x7f: {  	v19 =	vld [tilespmem:s24+$0x4820]  }
0x80: {  	v21 =	vld [tilespmem:s24+$0x4830]  }
0x81: {  	v20 =	vld [tilespmem:s24+$0x4840]  }
0x82: {  	v22 =	vld [tilespmem:s24+$0x4850]  }
0x83: {  	v0 =	vadd.f32 v1, v0;
	v23 =	vld [tilespmem:s24+$0x4860]  }
0x84: {  	v26 =	vld [tilespmem:s24+$0x4870]  }
0x85: {  	v0 =	vadd.f32 v3, v0;
	v25 =	vld [tilespmem:s24+$0x4880]  }
0x86: {  	v27 =	vld [tilespmem:s24+$0x4890]  }
0x87: {  	v0 =	vadd.f32 v5, v0;
	v28 =	vld [tilespmem:s24+$0x48A0]  }
0x88: {  	v30 =	vld [tilespmem:s24+$0x48B0]  }
0x89: {  	v0 =	vadd.f32 v7, v0;
	v31 =	vld [tilespmem:s24+$0x48C0]  }
0x8a: {  	v34 =	vld [tilespmem:s24+$0x48D0]  }
0x8b: {  	[tilespmem:s24+$0xC9F0] =	vst v0;
	v0 =	vld [tilespmem:s24+$0x4930]  }
0x8c: {  	v33 =	vld [tilespmem:s24+$0x48E0]  }
0x8d: {  	v35 =	vld [tilespmem:s24+$0x48F0]  }
0x8e: {  	v36 =	vld [tilespmem:s24+$0x4900]  }
0x8f: {  	v38 =	vld [tilespmem:s24+$0x4910]  }
0x90: {  	v39 =	vld [tilespmem:s24+$0x4920];
	[tilespmem:$0x1FEA0] =	vst v0  }
0x91: {  	v0 =	vld [tilespmem:s24+$0x4950];
	_ =	sdelay $0x4  }
0x92: {  	v43 =	vld [tilespmem:s24+$0x4940];
	[tilespmem:$0x1FEB0] =	vst v0  }
0x93: {  	v0 =	vld [tilespmem:s24+$0x4960];
	_ =	sdelay $0x4  }
0x94: {  	[tilespmem:$0x1FEC0] =	vst v0  }
0x95: {  	v0 =	vld [tilespmem:s24+$0x4970];
	_ =	sdelay $0x4  }
0x96: {  	[tilespmem:$0x1FED0] =	vst v0  }
0x97: {  	v0 =	vld [tilespmem:s24+$0x4980];
	_ =	sdelay $0x4  }
0x98: {  	[tilespmem:$0x1FEE0] =	vst v0  }
0x99: {  	v0 =	vld [tilespmem:s24+$0x4990];
	_ =	sdelay $0x4  }
0x9a: {  	[tilespmem:$0x1FEF0] =	vst v0  }
0x9b: {  	v0 =	vld [tilespmem:s24+$0x49A0];
	_ =	sdelay $0x4  }
0x9c: {  	[tilespmem:$0x1FF00] =	vst v0  }
0x9d: {  	v0 =	vld [tilespmem:s24+$0x49B0];
	_ =	sdelay $0x4  }
0x9e: {  	[tilespmem:$0x1FF10] =	vst v0  }
0x9f: {  	v0 =	vld [tilespmem:s24+$0x49C0];
	_ =	sdelay $0x4  }
0xa0: {  	[tilespmem:$0x1FF30] =	vst v0  }
0xa1: {  	v0 =	vld [tilespmem:s24+$0x49D0];
	_ =	sdelay $0x4  }
0xa2: {  	[tilespmem:$0x1FF40] =	vst v0  }
0xa3: {  	v0 =	vld [tilespmem:s24+$0x49E0];
	_ =	sdelay $0x4  }
0xa4: {  	[tilespmem:$0x1FF50] =	vst v0  }
0xa5: {  	v0 =	vld [tilespmem:s24+$0x5800];
	_ =	sdelay $0x4  }
0xa6: {  	[tilespmem:$0x1FF20] =	vst v0  }
0xa7: {  	v0 =	vld [tilespmem:s24+$0x5810];
	_ =	sdelay $0x4  }
0xa8: {  	[tilespmem:$0x1FF60] =	vst v0  }
0xa9: {  	v1 =	vld [tilespmem:s24+$0x5820];
	_ =	sdelay $0x4  }
0xaa: {  	[tilespmem:$0x1FF70] =	vst v1  }
0xab: {  	v0 =	vadd.f32 v4, v2;
	v2 =	vld [tilespmem:s24+$0x5830];
	_ =	sdelay $0x4  }
0xac: {  	v5 =	vld [tilespmem:$0x1FD30];
	[tilespmem:$0x1FF80] =	vst v2  }
0xad: {  	v3 =	vld [tilespmem:s24+$0x5840]  }
0xae: {  	v4 =	vld [tilespmem:$0x1FD20];
	_ =	sdelay $0x3  }
0xaf: {  	[tilespmem:$0x1FF90] =	vst v3  }
0xb0: {  	v2 =	vadd.f32 v14, v13;
	v14 =	vadd.f32 v5, v4;
	v4 =	vld [tilespmem:s24+$0x5850];
	_ =	sdelay $0x3  }
0xb1: {  	v5 =	vld [tilespmem:$0x1FD50]  }
0xb2: {  	[tilespmem:$0x1FFA0] =	vst v4;
	v4 =	vld [tilespmem:$0x1FD40];
	_ =	sdelay $0x3  }
0xb3: {  	v16 =	vadd.f32 v9, v6;
	v6 =	vld [tilespmem:$0x1FD70]  }
0xb4: {  	v4 =	vadd.f32 v5, v4;
	v5 =	vld [tilespmem:$0x1FD60];
	_ =	sdelay $0x3  }
0xb5: {  	v1 =	vadd.f32 v10, v8  }
0xb6: {  	v10 =	vadd.f32 v18, v15;
	v18 =	vadd.f32 v6, v5;
	v5 =	vld [tilespmem:s24+$0x5860];
	_ =	sdelay $0x3  }
0xb7: {  	v6 =	vld [tilespmem:$0x1FD90]  }
0xb8: {  	[tilespmem:$0x1FFB0] =	vst v5;
	v5 =	vld [tilespmem:$0x1FD80];
	_ =	sdelay $0x3  }
0xb9: {  	v7 =	vld [tilespmem:$0x1FDB0]  }
0xba: {  	v5 =	vadd.f32 v6, v5;
	v6 =	vld [tilespmem:$0x1FDA0];
	_ =	sdelay $0x4  }
0xbb: {  	v12 =	vadd.f32 v12, v11;
	v11 =	vadd.f32 v7, v6;
	v6 =	vld [tilespmem:s24+$0x5870];
	_ =	sdelay $0x3  }
0xbc: {  	v7 =	vld [tilespmem:$0x1FDD0]  }
0xbd: {  	[tilespmem:$0x1FFC0] =	vst v6;
	v6 =	vld [tilespmem:$0x1FDC0];
	_ =	sdelay $0x3  }
0xbe: {  	v8 =	vld [tilespmem:$0x1FDF0]  }
0xbf: {  	v6 =	vadd.f32 v7, v6;
	v7 =	vld [tilespmem:$0x1FDE0];
	_ =	sdelay $0x4  }
0xc0: {  	v13 =	vadd.f32 v8, v7;
	v7 =	vld [tilespmem:s24+$0x5880];
	_ =	sdelay $0x3  }
0xc1: {  	v8 =	vld [tilespmem:$0x1FE10]  }
0xc2: {  	[tilespmem:$0x1FFD0] =	vst v7;
	v7 =	vld [tilespmem:$0x1FE00];
	_ =	sdelay $0x3  }
0xc3: {  	v9 =	vld [tilespmem:$0x1FE30]  }
0xc4: {  	v7 =	vadd.f32 v8, v7;
	v8 =	vld [tilespmem:$0x1FE20];
	_ =	sdelay $0x4  }
0xc5: {  	v15 =	vadd.f32 v9, v8;
	v8 =	vld [tilespmem:$0x1FE40]  }
0xc6: {  	v9 =	vld [tilespmem:$0x1FE50];
	_ =	sdelay $0x4  }
0xc7: {  	v8 =	vadd.f32 v9, v8;
	v9 =	vld [tilespmem:$0x1FE60];
	_ =	sdelay $0x4  }
0xc8: {  	v3 =	vadd.f32 v42, v17;
	v17 =	vadd.f32 v41, v9;
	v9 =	vld [tilespmem:s24+$0x58A0];
	_ =	sdelay $0x2  }
0xc9: {  	v42 =	vld [tilespmem:s24+$0x5890]  }
0xca: {  	v41 =	vld [tilespmem:$0x1FE80]  }
0xcb: {  	[tilespmem:$0x1FFE0] =	vst v9;
	v9 =	vld [tilespmem:$0x1FE70];
	_ =	sdelay $0x4  }
0xcc: {  	v9 =	vadd.f32 v41, v9;
	v41 =	vld [tilespmem:$0x1FE90]  }
0xcd: {  	v37 =	vadd.f32 v37, v44;
	_ =	sdelay $0x1  }
0xce: {  	v6 =	vadd.f32 v31, v6;
	v31 =	vadd.f32 v43, v37;
	v43 =	vld [tilespmem:$0x1FEF0]  }
0xcf: {  	v24 =	vadd.f32 v24, v47;
	v0 =	vadd.f32 v62, v0;
	v62 =	vld [tilespmem:$0x1FEE0]  }
0xd0: {  	v47 =	vadd.f32 v51, v50;
	v40 =	vadd.f32 v40, v41;
	v41 =	vld [tilespmem:s24+$0x58B0]  }
0xd1: {  	v50 =	vadd.f32 v55, v54;
	v55 =	vadd.f32 v61, v60;
	v61 =	vld [tilespmem:$0x1FED0]  }
0xd2: {  	v29 =	vadd.f32 v29, v46;
	v46 =	vadd.f32 v49, v48;
	v49 =	vld [tilespmem:$0x1FF20]  }
0xd3: {  	v37 =	vadd.f32 v43, v47;
	v47 =	vld [tilespmem:$0x1FF10]  }
0xd4: {  	v15 =	vadd.f32 v35, v15;
	v35 =	vadd.f32 v62, v46;
	v46 =	vld [tilespmem:$0x1FF00]  }
0xd5: {  	[tilespmem:$0x1FFF0] =	vst v41;
	v41 =	vadd.f32 v53, v52;
	v52 =	vadd.f32 v57, v56;
	v57 =	vld [tilespmem:$0x1FEA0]  }
0xd6: {  	v53 =	vadd.f32 v59, v58;
	v58 =	vld [tilespmem:$0x1FEB0]  }
0xd7: {  	v59 =	vld [tilespmem:$0x1FEC0]  }
0xd8: {  	v44 =	vld [tilespmem:s24+$0x58C0]  }
0xd9: {  	v32 =	vadd.f32 v32, v45;
	v45 =	vld [tilespmem:s24+$0x58D0]  }
0xda: {  	v48 =	vld [tilespmem:s24+$0x58E0]  }
0xdb: {  	v51 =	vld [tilespmem:s24+$0x58F0]  }
0xdc: {  	v54 =	vld [tilespmem:s24+$0x5900]  }
0xdd: {  	v56 =	vld [tilespmem:s24+$0x5910]  }
0xde: {  	v1 =	vadd.f32 v19, v1;
	v19 =	vld [tilespmem:s24+$0x5920]  }
0xdf: {  	v2 =	vadd.f32 v20, v2;
	v20 =	vld [tilespmem:s24+$0x5930]  }
0xe0: {  	v12 =	vadd.f32 v21, v12;
	v21 =	vld [tilespmem:s24+$0x5940]  }
0xe1: {  	v10 =	vadd.f32 v22, v10;
	v22 =	vld [tilespmem:s24+$0x5950]  }
0xe2: {  	v3 =	vadd.f32 v23, v3;
	v23 =	vld [tilespmem:s24+$0x5960]  }
0xe3: {  	v4 =	vadd.f32 v25, v4;
	v25 =	vld [tilespmem:s24+$0x5970]  }
0xe4: {  	v14 =	vadd.f32 v26, v14;
	v26 =	vld [tilespmem:s24+$0x5980]  }
0xe5: {  	v18 =	vadd.f32 v27, v18;
	v27 =	vld [tilespmem:s24+$0x5990]  }
0xe6: {  	v5 =	vadd.f32 v28, v5;
	v28 =	vld [tilespmem:s24+$0x59A0]  }
0xe7: {  	v7 =	vadd.f32 v33, v7;
	v33 =	vld [tilespmem:s24+$0x59B0]  }
0xe8: {  	v60 =	vld [tilespmem:s24+$0x6800]  }
0xe9: {  	v16 =	vadd.f32 v63, v16;
	v63 =	vld [tilespmem:s24+$0x6810]  }
0xea: {  	v9 =	vadd.f32 v39, v9;
	v39 =	vld [tilespmem:s24+$0x6820]  }
0xeb: {  	v11 =	vadd.f32 v30, v11;
	v13 =	vadd.f32 v34, v13;
	v34 =	vld [tilespmem:s24+$0x6850]  }
0xec: {  	v30 =	vadd.f32 v57, v40;
	v40 =	vadd.f32 v47, v50;
	v50 =	vld [tilespmem:$0x1FF30]  }
0xed: {  	v62 =	vld [tilespmem:s24+$0x6880]  }
0xee: {  	v17 =	vadd.f32 v38, v17;
	v38 =	vadd.f32 v46, v41;
	v41 =	vld [tilespmem:s24+$0x6830]  }
0xef: {  	v47 =	vld [tilespmem:s24+$0x6840]  }
0xf0: {  	v57 =	vld [tilespmem:$0x1FF60]  }
0xf1: {  	v43 =	vadd.f32 v50, v52;
	v52 =	vld [tilespmem:$0x1FF40]  }
0xf2: {  	v0 =	vadd.f32 v49, v0;
	v32 =	vadd.f32 v58, v32;
	v58 =	vld [tilespmem:$0x1FF70]  }
0xf3: {  	v29 =	vadd.f32 v59, v29;
	v59 =	vld [tilespmem:$0x1FF80]  }
0xf4: {  	v0 =	vadd.f32 v60, v0;
	v60 =	vld [tilespmem:$0x1FF90]  }
0xf5: {  	v50 =	vld [tilespmem:s24+$0x6860]  }
0xf6: {  	v46 =	vadd.f32 v52, v53;
	v53 =	vld [tilespmem:$0x1FF50];
	[tilespmem:s24+$0xC800] =	vst v0  }
0xf7: {  	v0 =	vld [tilespmem:$0x1FFA0]  }
0xf8: {  	v16 =	vadd.f32 v57, v16;
	v52 =	vld [tilespmem:s24+$0x59C0]  }
0xf9: {  	v24 =	vadd.f32 v61, v24;
	v61 =	vld [tilespmem:$0x1FFC0]  }
0xfa: {  	v16 =	vadd.f32 v63, v16;
	v63 =	vld [tilespmem:$0x1FFD0]  }
0xfb: {  	v1 =	vadd.f32 v58, v1;
	v49 =	vadd.f32 v53, v55;
	v53 =	vld [tilespmem:s24+$0x6890]  }
0xfc: {  	v18 =	vadd.f32 v42, v18;
	v0 =	vadd.f32 v0, v10;
	v10 =	vld [tilespmem:$0x1FFB0]  }
0xfd: {  	v8 =	vadd.f32 v36, v8;
	v1 =	vadd.f32 v39, v1;
	v55 =	vld [tilespmem:s24+$0x68A0];
	[tilespmem:s24+$0xC810] =	vst v16  }
0xfe: {  	v6 =	vadd.f32 v44, v6;
	v12 =	vadd.f32 v59, v12;
	v57 =	vld [tilespmem:$0x1FFE0]  }
0xff: {  	v2 =	vadd.f32 v60, v2;
	v14 =	vadd.f32 v61, v14;
	v61 =	vld [tilespmem:s24+$0x59E0];
	[tilespmem:s24+$0xC820] =	vst v1  }
0x100: {  	v12 =	vadd.f32 v41, v12;
	v4 =	vadd.f32 v63, v4;
	v58 =	vld [tilespmem:$0x1FFF0]  }
0x101: {  	v1 =	vadd.f32 v47, v2;
	v3 =	vadd.f32 v10, v3;
	v10 =	vld [tilespmem:s24+$0x6870]  }
0x102: {  	v13 =	vadd.f32 v45, v13;
	[tilespmem:s24+$0xC830] =	vst v12;
	v0 =	vadd.f32 v34, v0;
	v12 =	vld [tilespmem:s24+$0x68C0]  }
0x103: {  	v2 =	vld [tilespmem:s24+$0x68B0];
	[tilespmem:s24+$0xC840] =	vst v1;
	v1 =	vadd.f32 v62, v4;
	v5 =	vadd.f32 v57, v5  }
0x104: {  	v7 =	vadd.f32 v48, v7;
	v4 =	vld [tilespmem:s24+$0x68D0];
	[tilespmem:s24+$0xC850] =	vst v0;
	v3 =	vadd.f32 v50, v3  }
0x105: {  	[tilespmem:s24+$0xC880] =	vst v1;
	v1 =	vadd.f32 v51, v15;
	v15 =	vld [tilespmem:s24+$0x68F0];
	v5 =	vadd.f32 v55, v5  }
0x106: {  	v0 =	vld [tilespmem:s24+$0x68E0];
	v11 =	vadd.f32 v58, v11;
	[tilespmem:s24+$0xC860] =	vst v3;
	v10 =	vadd.f32 v10, v14  }
0x107: {  	v3 =	vadd.f32 v53, v18;
	[tilespmem:s24+$0xC8A0] =	vst v5;
	v5 =	vadd.f32 v12, v6;
	v6 =	vld [tilespmem:s24+$0x6920]  }
0x108: {  	v8 =	vadd.f32 v54, v8;
	v2 =	vadd.f32 v2, v11;
	[tilespmem:s24+$0xC870] =	vst v10;
	v10 =	vld [tilespmem:s24+$0x6900]  }
0x109: {  	v9 =	vadd.f32 v19, v9;
	v59 =	vadd.f32 v56, v17;
	[tilespmem:s24+$0xC890] =	vst v3;
	v3 =	vld [tilespmem:s24+$0x6910]  }
0x10a: {  	v1 =	vadd.f32 v15, v1;
	[tilespmem:s24+$0xC8B0] =	vst v2;
	v2 =	vadd.f32 v4, v13;
	v4 =	vld [tilespmem:s24+$0x6930]  }
0x10b: {  	v60 =	vadd.f32 v25, v24;
	v62 =	vadd.f32 v26, v35;
	[tilespmem:s24+$0xC8C0] =	vst v5;
	v5 =	vld [tilespmem:s24+$0x6940]  }
0x10c: {  	v63 =	vld [tilespmem:s24+$0x6970];
	v11 =	vadd.f32 v20, v30;
	v0 =	vadd.f32 v0, v7;
	[tilespmem:s24+$0xC8F0] =	vst v1  }
0x10d: {  	[tilespmem:s24+$0xC8D0] =	vst v2;
	v1 =	vadd.f32 v6, v9;
	v2 =	vadd.f32 v10, v8;
	v8 =	vld [tilespmem:s24+$0x6950]  }
0x10e: {  	v12 =	vadd.f32 v21, v31;
	v15 =	vld [tilespmem:s24+$0x6960];
	v13 =	vadd.f32 v22, v32;
	[tilespmem:s24+$0xC8E0] =	vst v0  }
0x10f: {  	v14 =	vld [tilespmem:s24+$0x59D0];
	v0 =	vadd.f32 v3, v59;
	v3 =	vadd.f32 v27, v37;
	[tilespmem:s24+$0xC920] =	vst v1  }
0x110: {  	v5 =	vadd.f32 v5, v12;
	[tilespmem:s24+$0xC900] =	vst v2;
	v2 =	vadd.f32 v4, v11;
	v11 =	vld [tilespmem:s24+$0x6980]  }
0x111: {  	v7 =	vld [tilespmem:s24+$0x6990];
	v10 =	vadd.f32 v23, v29;
	v1 =	vadd.f32 v33, v40;
	[tilespmem:s24+$0xC910] =	vst v0  }
0x112: {  	v6 =	vld [tilespmem:s24+$0x69A0];
	v12 =	vadd.f32 v63, v60;
	[tilespmem:s24+$0xC940] =	vst v5;
	v9 =	vadd.f32 v8, v13  }
0x113: {  	v0 =	vadd.f32 v28, v38;
	v10 =	vadd.f32 v15, v10;
	[tilespmem:s24+$0xC930] =	vst v2;
	v8 =	vld [tilespmem:s24+$0x69B0]  }
0x114: {  	v4 =	vadd.f32 v52, v43;
	v5 =	vadd.f32 v14, v46;
	[tilespmem:s24+$0xC950] =	vst v9;
	v9 =	vld [tilespmem:s24+$0x69C0]  }
0x115: {  	s25 =	simm.s32 $0x0;
	s26 =	simm.s32 $0x800;
	v2 =	vadd.f32 v61, v49;
	[tilespmem:s24+$0xC960] =	vst v10;
	v10 =	vld [tilespmem:s24+$0x69D0];
	v11 =	vadd.f32 v11, v62  }
.LBB2_3:
0x116: {  	s28 =	sshra.s32 s26, $0x2;
	[tilespmem:s24+$0xC970] =	vst v12;
	v3 =	vadd.f32 v7, v3;
	v7 =	vld [tilespmem:s24+$0x69E0]  }
0x117: {  	s25 =	sadd.s32 $0x4, s25;
	v12 =	vld [tilespmem:s28+$0x29F0];
	[tilespmem:s24+$0xC980] =	vst v11;
	v0 =	vadd.f32 v6, v0  }
0x118: {  	p1 =	slt.u32 s25, $0x1C;
	v6 =	vld [tilespmem:s28+$0x39F0];
	[tilespmem:s24+$0xC990] =	vst v3;
	v1 =	vadd.f32 v8, v1  }
0x119: {  	v3 =	vld [tilespmem:s28+$0x2800];
	[tilespmem:s24+$0xC9A0] =	vst v0;
	v0 =	vadd.f32 v9, v4  }
0x11a: {  	v4 =	vld [tilespmem:s28+$0x49F0];
	[tilespmem:s24+$0xC9B0] =	vst v1;
	v1 =	vadd.f32 v10, v5  }
0x11b: {  	v5 =	vld [tilespmem:s28+$0x3800];
	[tilespmem:s24+$0xC9C0] =	vst v0;
	v0 =	vadd.f32 v7, v2  }
0x11c: {  	v2 =	vld [tilespmem:s28+$0x59F0];
	[tilespmem:s24+$0xC9D0] =	vst v1  }
0x11d: {  	v1 =	vld [tilespmem:s28+$0x2810];
	v6 =	vadd.f32 v6, v12;
	[tilespmem:s24+$0xC9E0] =	vst v0;
	s24 =	smov.u32 s28  }
0x11e: {  	v7 =	vld [tilespmem:s24+$0x69F0]  }
0x11f: {  	v8 =	vld [tilespmem:s24+$0x3810];
	v4 =	vadd.f32 v4, v6  }
0x120: {  	v0 =	vadd.f32 v5, v3;
	v3 =	vld [tilespmem:s24+$0x2820]  }
0x121: {  	v5 =	vld [tilespmem:s24+$0x3820];
	v2 =	vadd.f32 v2, v4  }
0x122: {  	v4 =	vld [tilespmem:s24+$0x2830]  }
0x123: {  	v6 =	vld [tilespmem:s24+$0x3830];
	v2 =	vadd.f32 v7, v2  }
0x124: {  	v1 =	vadd.f32 v8, v1;
	v7 =	vld [tilespmem:s24+$0x2840]  }
0x125: {  	v8 =	vld [tilespmem:s24+$0x3840];
	[tilespmem:s24+$0xC9F0] =	vst v2  }
0x126: {  	v2 =	vadd.f32 v5, v3;
	v5 =	vld [tilespmem:s24+$0x2850]  }
0x127: {  	v9 =	vld [tilespmem:s24+$0x3850]  }
0x128: {  	v3 =	vadd.f32 v6, v4;
	v6 =	vld [tilespmem:s24+$0x2860]  }
0x129: {  	v10 =	vld [tilespmem:s24+$0x3860]  }
0x12a: {  	v4 =	vadd.f32 v8, v7;
	v7 =	vld [tilespmem:s24+$0x2870]  }
0x12b: {  	v8 =	vld [tilespmem:s24+$0x3870]  }
0x12c: {  	v5 =	vadd.f32 v9, v5;
	v9 =	vld [tilespmem:s24+$0x2880]  }
0x12d: {  	v11 =	vld [tilespmem:s24+$0x3880]  }
0x12e: {  	v6 =	vadd.f32 v10, v6;
	v10 =	vld [tilespmem:s24+$0x2890]  }
0x12f: {  	v12 =	vld [tilespmem:s24+$0x3890]  }
0x130: {  	v7 =	vadd.f32 v8, v7;
	v13 =	vld [tilespmem:s24+$0x28A0]  }
0x131: {  	v14 =	vld [tilespmem:s24+$0x38A0]  }
0x132: {  	v8 =	vadd.f32 v11, v9;
	v11 =	vld [tilespmem:s24+$0x28B0]  }
0x133: {  	v15 =	vld [tilespmem:s24+$0x38B0]  }
0x134: {  	v9 =	vadd.f32 v12, v10;
	v12 =	vld [tilespmem:s24+$0x28C0]  }
0x135: {  	v16 =	vld [tilespmem:s24+$0x38C0]  }
0x136: {  	v10 =	vadd.f32 v14, v13;
	v13 =	vld [tilespmem:s24+$0x28D0]  }
0x137: {  	v14 =	vld [tilespmem:s24+$0x38D0]  }
0x138: {  	v11 =	vadd.f32 v15, v11;
	v15 =	vld [tilespmem:s24+$0x28E0]  }
0x139: {  	v17 =	vld [tilespmem:s24+$0x38E0]  }
0x13a: {  	v12 =	vadd.f32 v16, v12;
	v16 =	vld [tilespmem:s24+$0x28F0]  }
0x13b: {  	v18 =	vld [tilespmem:s24+$0x38F0]  }
0x13c: {  	v13 =	vadd.f32 v14, v13;
	v14 =	vld [tilespmem:s24+$0x2900]  }
0x13d: {  	v19 =	vld [tilespmem:s24+$0x3900]  }
0x13e: {  	v15 =	vadd.f32 v17, v15;
	v17 =	vld [tilespmem:s24+$0x2910]  }
0x13f: {  	v20 =	vld [tilespmem:s24+$0x3910]  }
0x140: {  	v16 =	vadd.f32 v18, v16;
	v18 =	vld [tilespmem:s24+$0x2920]  }
0x141: {  	v21 =	vld [tilespmem:s24+$0x3920]  }
0x142: {  	v14 =	vadd.f32 v19, v14;
	v19 =	vld [tilespmem:s24+$0x2930]  }
0x143: {  	v22 =	vld [tilespmem:s24+$0x3930]  }
0x144: {  	v17 =	vadd.f32 v20, v17;
	v20 =	vld [tilespmem:s24+$0x2940]  }
0x145: {  	v23 =	vld [tilespmem:s24+$0x3940]  }
0x146: {  	v18 =	vadd.f32 v21, v18;
	v21 =	vld [tilespmem:s24+$0x2950]  }
0x147: {  	v24 =	vld [tilespmem:s24+$0x3950]  }
0x148: {  	v19 =	vadd.f32 v22, v19;
	v22 =	vld [tilespmem:s24+$0x2960]  }
0x149: {  	v25 =	vld [tilespmem:s24+$0x3960]  }
0x14a: {  	v20 =	vadd.f32 v23, v20;
	v23 =	vld [tilespmem:s24+$0x2970]  }
0x14b: {  	v26 =	vld [tilespmem:s24+$0x3970]  }
0x14c: {  	v21 =	vadd.f32 v24, v21;
	v24 =	vld [tilespmem:s24+$0x2980]  }
0x14d: {  	v27 =	vld [tilespmem:s24+$0x3980]  }
0x14e: {  	v22 =	vadd.f32 v25, v22;
	v25 =	vld [tilespmem:s24+$0x2990]  }
0x14f: {  	v28 =	vld [tilespmem:s24+$0x3990]  }
0x150: {  	v23 =	vadd.f32 v26, v23;
	v26 =	vld [tilespmem:s24+$0x29A0]  }
0x151: {  	v29 =	vld [tilespmem:s24+$0x39A0]  }
0x152: {  	v24 =	vadd.f32 v27, v24;
	v27 =	vld [tilespmem:s24+$0x29B0]  }
0x153: {  	v30 =	vld [tilespmem:s24+$0x39B0]  }
0x154: {  	v25 =	vadd.f32 v28, v25;
	v28 =	vld [tilespmem:s24+$0x29C0]  }
0x155: {  	v31 =	vld [tilespmem:s24+$0x39C0]  }
0x156: {  	v26 =	vadd.f32 v29, v26;
	v29 =	vld [tilespmem:s24+$0x29D0]  }
0x157: {  	v32 =	vld [tilespmem:s24+$0x39D0]  }
0x158: {  	v27 =	vadd.f32 v30, v27;
	v30 =	vld [tilespmem:s24+$0x29E0]  }
0x159: {  	v33 =	vld [tilespmem:s24+$0x39E0]  }
0x15a: {  	v34 =	vld [tilespmem:s24+$0x4800];
	v28 =	vadd.f32 v31, v28  }
0x15b: {  	v31 =	vld [tilespmem:s24+$0x4810]  }
0x15c: {  	v35 =	vld [tilespmem:s24+$0x4820];
	v29 =	vadd.f32 v32, v29  }
0x15d: {  	v32 =	vld [tilespmem:s24+$0x4830]  }
0x15e: {  	v36 =	vld [tilespmem:s24+$0x4840];
	v30 =	vadd.f32 v33, v30  }
0x15f: {  	v0 =	vadd.f32 v34, v0;
	v33 =	vld [tilespmem:s24+$0x4850]  }
0x160: {  	v1 =	vadd.f32 v31, v1;
	v31 =	vld [tilespmem:s24+$0x4860]  }
0x161: {  	v2 =	vadd.f32 v35, v2;
	v34 =	vld [tilespmem:s24+$0x4870]  }
0x162: {  	v3 =	vadd.f32 v32, v3;
	v32 =	vld [tilespmem:s24+$0x4880]  }
0x163: {  	v4 =	vadd.f32 v36, v4;
	v35 =	vld [tilespmem:s24+$0x4890]  }
0x164: {  	v5 =	vadd.f32 v33, v5;
	v33 =	vld [tilespmem:s24+$0x48A0]  }
0x165: {  	v6 =	vadd.f32 v31, v6;
	v31 =	vld [tilespmem:s24+$0x48B0]  }
0x166: {  	v7 =	vadd.f32 v34, v7;
	v34 =	vld [tilespmem:s24+$0x48C0]  }
0x167: {  	v8 =	vadd.f32 v32, v8;
	v32 =	vld [tilespmem:s24+$0x48D0]  }
0x168: {  	v9 =	vadd.f32 v35, v9;
	v35 =	vld [tilespmem:s24+$0x48E0]  }
0x169: {  	v10 =	vadd.f32 v33, v10;
	v33 =	vld [tilespmem:s24+$0x48F0]  }
0x16a: {  	v11 =	vadd.f32 v31, v11;
	v31 =	vld [tilespmem:s24+$0x4900]  }
0x16b: {  	v12 =	vadd.f32 v34, v12;
	v34 =	vld [tilespmem:s24+$0x4910]  }
0x16c: {  	v13 =	vadd.f32 v32, v13;
	v32 =	vld [tilespmem:s24+$0x4920]  }
0x16d: {  	v15 =	vadd.f32 v35, v15;
	v35 =	vld [tilespmem:s24+$0x4930]  }
0x16e: {  	v16 =	vadd.f32 v33, v16;
	v33 =	vld [tilespmem:s24+$0x4940]  }
0x16f: {  	v14 =	vadd.f32 v31, v14;
	v31 =	vld [tilespmem:s24+$0x4950]  }
0x170: {  	v17 =	vadd.f32 v34, v17;
	v34 =	vld [tilespmem:s24+$0x4960]  }
0x171: {  	v18 =	vadd.f32 v32, v18;
	v32 =	vld [tilespmem:s24+$0x4970]  }
0x172: {  	v19 =	vadd.f32 v35, v19;
	v35 =	vld [tilespmem:s24+$0x4980]  }
0x173: {  	v20 =	vadd.f32 v33, v20;
	v33 =	vld [tilespmem:s24+$0x4990]  }
0x174: {  	v21 =	vadd.f32 v31, v21;
	v31 =	vld [tilespmem:s24+$0x49A0]  }
0x175: {  	v22 =	vadd.f32 v34, v22;
	v34 =	vld [tilespmem:s24+$0x49B0]  }
0x176: {  	v23 =	vadd.f32 v32, v23;
	v32 =	vld [tilespmem:s24+$0x49C0]  }
0x177: {  	v24 =	vadd.f32 v35, v24;
	v35 =	vld [tilespmem:s24+$0x49D0]  }
0x178: {  	v25 =	vadd.f32 v33, v25;
	v33 =	vld [tilespmem:s24+$0x49E0]  }
0x179: {  	v36 =	vld [tilespmem:s24+$0x5800];
	v26 =	vadd.f32 v31, v26  }
0x17a: {  	v31 =	vld [tilespmem:s24+$0x5810];
	v27 =	vadd.f32 v34, v27  }
0x17b: {  	v34 =	vld [tilespmem:s24+$0x5820];
	v28 =	vadd.f32 v32, v28  }
0x17c: {  	v32 =	vld [tilespmem:s24+$0x5830];
	v29 =	vadd.f32 v35, v29  }
0x17d: {  	v35 =	vld [tilespmem:s24+$0x5840];
	v30 =	vadd.f32 v33, v30  }
0x17e: {  	v33 =	vadd.f32 v36, v0;
	v0 =	vld [tilespmem:s24+$0x5850]  }
0x17f: {  	v31 =	vadd.f32 v31, v1;
	v1 =	vld [tilespmem:s24+$0x5860]  }
0x180: {  	v34 =	vadd.f32 v34, v2;
	v2 =	vld [tilespmem:s24+$0x5870]  }
0x181: {  	v32 =	vadd.f32 v32, v3;
	v3 =	vld [tilespmem:s24+$0x5880]  }
0x182: {  	v35 =	vadd.f32 v35, v4;
	v4 =	vld [tilespmem:s24+$0x5890]  }
0x183: {  	v36 =	vadd.f32 v0, v5;
	v0 =	vld [tilespmem:s24+$0x58A0]  }
0x184: {  	v6 =	vadd.f32 v1, v6;
	v1 =	vld [tilespmem:s24+$0x58B0]  }
0x185: {  	v7 =	vadd.f32 v2, v7;
	v2 =	vld [tilespmem:s24+$0x58C0]  }
0x186: {  	v8 =	vadd.f32 v3, v8;
	v3 =	vld [tilespmem:s24+$0x58D0]  }
0x187: {  	v9 =	vadd.f32 v4, v9;
	v4 =	vld [tilespmem:s24+$0x58E0]  }
0x188: {  	v10 =	vadd.f32 v0, v10;
	v0 =	vld [tilespmem:s24+$0x58F0]  }
0x189: {  	v11 =	vadd.f32 v1, v11;
	v1 =	vld [tilespmem:s24+$0x5900]  }
0x18a: {  	v12 =	vadd.f32 v2, v12;
	v2 =	vld [tilespmem:s24+$0x5910]  }
0x18b: {  	v13 =	vadd.f32 v3, v13;
	v3 =	vld [tilespmem:s24+$0x5920]  }
0x18c: {  	v15 =	vadd.f32 v4, v15;
	v4 =	vld [tilespmem:s24+$0x5930]  }
0x18d: {  	v16 =	vadd.f32 v0, v16;
	v0 =	vld [tilespmem:s24+$0x5940]  }
0x18e: {  	v14 =	vadd.f32 v1, v14;
	v1 =	vld [tilespmem:s24+$0x5950]  }
0x18f: {  	v17 =	vadd.f32 v2, v17;
	v2 =	vld [tilespmem:s24+$0x5960]  }
0x190: {  	v18 =	vadd.f32 v3, v18;
	v3 =	vld [tilespmem:s24+$0x5970]  }
0x191: {  	v19 =	vadd.f32 v4, v19;
	v4 =	vld [tilespmem:s24+$0x5980]  }
0x192: {  	v20 =	vadd.f32 v0, v20;
	v0 =	vld [tilespmem:s24+$0x5990]  }
0x193: {  	v21 =	vadd.f32 v1, v21;
	v1 =	vld [tilespmem:s24+$0x59A0]  }
0x194: {  	v22 =	vadd.f32 v2, v22;
	v2 =	vld [tilespmem:s24+$0x59B0]  }
0x195: {  	v23 =	vadd.f32 v3, v23;
	v5 =	vld [tilespmem:s24+$0x59C0]  }
0x196: {  	v24 =	vadd.f32 v4, v24;
	v37 =	vld [tilespmem:s24+$0x59D0]  }
0x197: {  	v3 =	vadd.f32 v0, v25;
	v25 =	vld [tilespmem:s24+$0x59E0]  }
0x198: {  	v38 =	vld [tilespmem:s24+$0x6800];
	v0 =	vadd.f32 v1, v26  }
0x199: {  	v26 =	vld [tilespmem:s24+$0x6810];
	v1 =	vadd.f32 v2, v27  }
0x19a: {  	v27 =	vld [tilespmem:s24+$0x6820];
	v4 =	vadd.f32 v5, v28  }
0x19b: {  	v28 =	vld [tilespmem:s24+$0x6830];
	v5 =	vadd.f32 v37, v29  }
0x19c: {  	v29 =	vld [tilespmem:s24+$0x6840];
	v2 =	vadd.f32 v25, v30  }
0x19d: {  	v25 =	vadd.f32 v38, v33;
	v30 =	vld [tilespmem:s24+$0x6850]  }
0x19e: {  	v26 =	vadd.f32 v26, v31;
	v31 =	vld [tilespmem:s24+$0x6860]  }
0x19f: {  	[tilespmem:s24+$0xC800] =	vst v25;
	v25 =	vadd.f32 v27, v34;
	v27 =	vld [tilespmem:s24+$0x6870]  }
0x1a0: {  	[tilespmem:s24+$0xC810] =	vst v26;
	v26 =	vadd.f32 v28, v32;
	v28 =	vld [tilespmem:s24+$0x6880]  }
0x1a1: {  	[tilespmem:s24+$0xC820] =	vst v25;
	v25 =	vadd.f32 v29, v35;
	v29 =	vld [tilespmem:s24+$0x6890]  }
0x1a2: {  	[tilespmem:s24+$0xC830] =	vst v26;
	v26 =	vadd.f32 v30, v36;
	v30 =	vld [tilespmem:s24+$0x68A0]  }
0x1a3: {  	[tilespmem:s24+$0xC840] =	vst v25;
	v6 =	vadd.f32 v31, v6;
	v25 =	vld [tilespmem:s24+$0x68B0]  }
0x1a4: {  	[tilespmem:s24+$0xC850] =	vst v26;
	v7 =	vadd.f32 v27, v7;
	v26 =	vld [tilespmem:s24+$0x68C0]  }
0x1a5: {  	[tilespmem:s24+$0xC860] =	vst v6;
	v6 =	vadd.f32 v28, v8;
	v8 =	vld [tilespmem:s24+$0x68D0]  }
0x1a6: {  	[tilespmem:s24+$0xC870] =	vst v7;
	v7 =	vadd.f32 v29, v9;
	v9 =	vld [tilespmem:s24+$0x68E0]  }
0x1a7: {  	[tilespmem:s24+$0xC880] =	vst v6;
	v6 =	vadd.f32 v30, v10;
	v10 =	vld [tilespmem:s24+$0x68F0]  }
0x1a8: {  	[tilespmem:s24+$0xC890] =	vst v7;
	v7 =	vadd.f32 v25, v11;
	v11 =	vld [tilespmem:s24+$0x6900]  }
0x1a9: {  	[tilespmem:s24+$0xC8A0] =	vst v6;
	v6 =	vadd.f32 v26, v12;
	v12 =	vld [tilespmem:s24+$0x6910]  }
0x1aa: {  	[tilespmem:s24+$0xC8B0] =	vst v7;
	v7 =	vadd.f32 v8, v13;
	v8 =	vld [tilespmem:s24+$0x6920]  }
0x1ab: {  	[tilespmem:s24+$0xC8C0] =	vst v6;
	v6 =	vadd.f32 v9, v15;
	v9 =	vld [tilespmem:s24+$0x6930]  }
0x1ac: {  	[tilespmem:s24+$0xC8D0] =	vst v7;
	v7 =	vadd.f32 v10, v16;
	v10 =	vld [tilespmem:s24+$0x6940]  }
0x1ad: {  	[tilespmem:s24+$0xC8E0] =	vst v6;
	v6 =	vadd.f32 v11, v14;
	v11 =	vld [tilespmem:s24+$0x6950]  }
0x1ae: {  	[tilespmem:s24+$0xC8F0] =	vst v7;
	v7 =	vadd.f32 v12, v17;
	v12 =	vld [tilespmem:s24+$0x6960]  }
0x1af: {  	[tilespmem:s24+$0xC900] =	vst v6;
	v6 =	vadd.f32 v8, v18;
	v13 =	vld [tilespmem:s24+$0x6970]  }
0x1b0: {  	[tilespmem:s24+$0xC910] =	vst v7;
	v8 =	vadd.f32 v9, v19;
	v14 =	vld [tilespmem:s24+$0x6980]  }
.Ltmp0:
0x1b1: {  	[tilespmem:s24+$0xC920] =	vst v6;
	v9 =	vadd.f32 v10, v20;
	v7 =	vld [tilespmem:s24+$0x6990];
	(pc) =	sbr.rel @p1 .LBB2_3-.Ltmp0, $4  }
0x1b2: {  	[tilespmem:s24+$0xC930] =	vst v8;
	v10 =	vadd.f32 v11, v21;
	v6 =	vld [tilespmem:s24+$0x69A0]  }
0x1b3: {  	[tilespmem:s24+$0xC940] =	vst v9;
	v11 =	vadd.f32 v12, v22;
	v8 =	vld [tilespmem:s24+$0x69B0]  }
0x1b4: {  	[tilespmem:s24+$0xC950] =	vst v10;
	v12 =	vadd.f32 v13, v23;
	v9 =	vld [tilespmem:s24+$0x69C0]  }
0x1b5: {  	s26 =	sadd.s32 $0x800, s26;
	[tilespmem:s24+$0xC960] =	vst v11;
	v11 =	vadd.f32 v14, v24;
	v10 =	vld [tilespmem:s24+$0x69D0]  }
0x1b6: {  	[tilespmem:s24+$0xC970] =	vst v12;
	v3 =	vadd.f32 v7, v3;
	v60 =	vld [tilespmem:s24+$0x69E0]  }
0x1b7: {  	[tilespmem:s24+$0xC980] =	vst v11;
	v0 =	vadd.f32 v6, v0  }
0x1b8: {  	[tilespmem:s24+$0xC990] =	vst v3;
	v1 =	vadd.f32 v8, v1  }
0x1b9: {  	p1 =	sne.s32 s22, $0x7;
	[tilespmem:s24+$0xC9A0] =	vst v0;
	v61 =	vadd.f32 v9, v4  }
.Ltmp1:
0x1ba: {  	[tilespmem:s24+$0xC9B0] =	vst v1;
	v62 =	vadd.f32 v10, v5;
	(pc) =	sbr.rel @p1 .LBB2_6-.Ltmp1, $4  }
0x1bb: {  	[tilespmem:s24+$0xC9C0] =	vst v61;
	v63 =	vadd.f32 v60, v2  }
0x1bc: {  	s25 =	sshll.u32 s22, $0xA;
	[tilespmem:s24+$0xC9D0] =	vst v62  }
0x1bd: {  	s31 =	sadd.s32 s25, s7;
	[tilespmem:s24+$0xC9E0] =	vst v63  }
0x1be: {  	[hbm4b:s31+s3] =	stream.linear.scatter [tilespmem:s16], [sflag:$0x3], $0x1000, $0x38;
	[tilespmem:$0x18D00] =	vst v63  }
.Ltmp2:
0x1bf: {  	(pc) =	sbr.rel .LBB2_7-.Ltmp2, $4  }
0x1c0: {  	_ = 	snop  }
0x1c1: {  	_ =	swait.ge [sflag:s17], $0x5000  }
0x1c2: {  	[sflag:s17] =	ssyncset.done $0x0  }
0x1c3: {  	[sflag:s17] =	ssyncadd.s32 $0xFFFFB000  }
.LBB2_6:
0x1c4: {  	s24 =	smul.u32 $0x1400, s22;
	_ =	sdelay $0x1  }
0x1c5: {  	s24 =	sshra.s32 s24, $0x2  }
.Ltmp3:
0x1c6: {  	s24 =	sadd.s32 $0x500, s24;
	(pc) =	sbr.rel @p0 .LBB2_8-.Ltmp3, $4  }
0x1c7: {  	[tilespmem:s11], [sflag:$0x1] =	stream.indirect.gather [spmem:s2], $0x20, s24, s10, $0xb8;
	[tilespmem:$0x18D00] =	vst v63  }
0x1c8: {  	_ =	swait.ge [sflag:s17], $0x5000  }
0x1c9: {  	[sflag:s17] =	ssyncset.done $0x0  }
0x1ca: {  	[sflag:s17] =	ssyncadd.s32 $0xFFFFB000  }
.LBB2_7:
0x1cb: {  	_ =	swait.ge [sflag:s18], $0x1000  }
0x1cc: {  	[sflag:s18] =	ssyncset.done $0x0  }
0x1cd: {  	[sflag:s18] =	ssyncadd.s32 $0xFFFFF000  }
.LBB2_8:
0x1ce: {  	s24 =	simm.s32 $0x0  }
0x1cf: {  	v0 =	vld [tilespmem:s24+$0x79F0]  }
0x1d0: {  	v1 =	vld [tilespmem:s24+$0x89F0]  }
0x1d1: {  	v2 =	vld [tilespmem:s24+$0x7800]  }
0x1d2: {  	v3 =	vld [tilespmem:s24+$0x99F0]  }
0x1d3: {  	v4 =	vld [tilespmem:s24+$0x8800]  }
0x1d4: {  	v5 =	vld [tilespmem:s24+$0xA9F0]  }
0x1d5: {  	v6 =	vld [tilespmem:s24+$0x7810]  }
0x1d6: {  	v7 =	vld [tilespmem:s24+$0xB9F0]  }
0x1d7: {  	v9 =	vld [tilespmem:s24+$0x8810]  }
0x1d8: {  	v8 =	vld [tilespmem:s24+$0x7820]  }
0x1d9: {  	v10 =	vld [tilespmem:s24+$0x8820]  }
0x1da: {  	v11 =	vld [tilespmem:s24+$0x7830]  }
0x1db: {  	v12 =	vld [tilespmem:s24+$0x8830]  }
0x1dc: {  	v13 =	vld [tilespmem:s24+$0x7840]  }
0x1dd: {  	v16 =	vld [tilespmem:s24+$0x7870]  }
0x1de: {  	v14 =	vld [tilespmem:s24+$0x8840]  }
0x1df: {  	v15 =	vld [tilespmem:s24+$0x7850]  }
0x1e0: {  	v18 =	vld [tilespmem:s24+$0x8850]  }
0x1e1: {  	v17 =	vld [tilespmem:s24+$0x7860]  }
0x1e2: {  	v42 =	vld [tilespmem:s24+$0x8860];
	[tilespmem:$0x1FA40] =	vst v16  }
0x1e3: {  	v16 =	vld [tilespmem:s24+$0x8870];
	_ =	sdelay $0x4  }
0x1e4: {  	[tilespmem:$0x1FA50] =	vst v16  }
0x1e5: {  	v16 =	vld [tilespmem:s24+$0x7880];
	_ =	sdelay $0x4  }
0x1e6: {  	[tilespmem:$0x1FA60] =	vst v16  }
0x1e7: {  	v16 =	vld [tilespmem:s24+$0x8880];
	_ =	sdelay $0x4  }
0x1e8: {  	[tilespmem:$0x1FA70] =	vst v16  }
0x1e9: {  	v16 =	vld [tilespmem:s24+$0x7890];
	_ =	sdelay $0x4  }
0x1ea: {  	[tilespmem:$0x1FA80] =	vst v16  }
0x1eb: {  	v16 =	vld [tilespmem:s24+$0x8890];
	_ =	sdelay $0x4  }
0x1ec: {  	[tilespmem:$0x1FA90] =	vst v16  }
0x1ed: {  	v16 =	vld [tilespmem:s24+$0x78A0];
	_ =	sdelay $0x4  }
0x1ee: {  	[tilespmem:$0x1FAA0] =	vst v16  }
0x1ef: {  	v16 =	vld [tilespmem:s24+$0x88A0];
	_ =	sdelay $0x4  }
0x1f0: {  	[tilespmem:$0x1FAB0] =	vst v16  }
0x1f1: {  	v16 =	vld [tilespmem:s24+$0x78B0];
	_ =	sdelay $0x4  }
0x1f2: {  	[tilespmem:$0x1FAC0] =	vst v16  }
0x1f3: {  	v16 =	vld [tilespmem:s24+$0x88B0];
	_ =	sdelay $0x4  }
0x1f4: {  	[tilespmem:$0x1FAD0] =	vst v16  }
0x1f5: {  	v16 =	vld [tilespmem:s24+$0x78C0];
	_ =	sdelay $0x4  }
0x1f6: {  	[tilespmem:$0x1FAE0] =	vst v16  }
0x1f7: {  	v16 =	vld [tilespmem:s24+$0x88C0];
	_ =	sdelay $0x4  }
0x1f8: {  	[tilespmem:$0x1FAF0] =	vst v16  }
0x1f9: {  	v16 =	vld [tilespmem:s24+$0x78D0];
	_ =	sdelay $0x4  }
0x1fa: {  	[tilespmem:$0x1FB00] =	vst v16  }
0x1fb: {  	v16 =	vld [tilespmem:s24+$0x88D0];
	_ =	sdelay $0x4  }
0x1fc: {  	[tilespmem:$0x1FB10] =	vst v16  }
0x1fd: {  	v16 =	vld [tilespmem:s24+$0x78E0];
	_ =	sdelay $0x4  }
0x1fe: {  	[tilespmem:$0x1FB20] =	vst v16  }
0x1ff: {  	v16 =	vld [tilespmem:s24+$0x88E0];
	_ =	sdelay $0x4  }
0x200: {  	[tilespmem:$0x1FB30] =	vst v16  }
0x201: {  	v16 =	vld [tilespmem:s24+$0x78F0];
	_ =	sdelay $0x4  }
0x202: {  	[tilespmem:$0x1FB40] =	vst v16  }
0x203: {  	v16 =	vld [tilespmem:s24+$0x88F0];
	_ =	sdelay $0x4  }
0x204: {  	[tilespmem:$0x1FB50] =	vst v16  }
0x205: {  	v16 =	vld [tilespmem:s24+$0x7900];
	_ =	sdelay $0x4  }
0x206: {  	[tilespmem:$0x1FB60] =	vst v16  }
0x207: {  	v16 =	vld [tilespmem:s24+$0x8900];
	_ =	sdelay $0x4  }
0x208: {  	[tilespmem:$0x1FB70] =	vst v16  }
0x209: {  	v16 =	vld [tilespmem:s24+$0x7910];
	_ =	sdelay $0x4  }
0x20a: {  	[tilespmem:$0x1FB80] =	vst v16  }
0x20b: {  	v16 =	vld [tilespmem:s24+$0x7920];
	_ =	sdelay $0x4  }
0x20c: {  	v41 =	vld [tilespmem:s24+$0x8910];
	[tilespmem:$0x1FB90] =	vst v16  }
0x20d: {  	v16 =	vld [tilespmem:s24+$0x8920];
	_ =	sdelay $0x4  }
0x20e: {  	[tilespmem:$0x1FBA0] =	vst v16  }
0x20f: {  	v16 =	vld [tilespmem:s24+$0x7930];
	_ =	sdelay $0x4  }
0x210: {  	[tilespmem:$0x1FBB0] =	vst v16  }
0x211: {  	v40 =	vld [tilespmem:s24+$0x8930]  }
0x212: {  	v44 =	vld [tilespmem:s24+$0x7940]  }
0x213: {  	v37 =	vld [tilespmem:s24+$0x8940]  }
0x214: {  	v45 =	vld [tilespmem:s24+$0x7950]  }
0x215: {  	v32 =	vld [tilespmem:s24+$0x8950]  }
0x216: {  	v46 =	vld [tilespmem:s24+$0x7960]  }
0x217: {  	v29 =	vld [tilespmem:s24+$0x8960]  }
0x218: {  	v47 =	vld [tilespmem:s24+$0x7970]  }
0x219: {  	v24 =	vld [tilespmem:s24+$0x8970]  }
0x21a: {  	v48 =	vld [tilespmem:s24+$0x7980]  }
0x21b: {  	v49 =	vld [tilespmem:s24+$0x8980]  }
0x21c: {  	v50 =	vld [tilespmem:s24+$0x7990]  }
0x21d: {  	v51 =	vld [tilespmem:s24+$0x8990]  }
0x21e: {  	v52 =	vld [tilespmem:s24+$0x79A0]  }
0x21f: {  	v53 =	vld [tilespmem:s24+$0x89A0]  }
0x220: {  	v54 =	vld [tilespmem:s24+$0x79B0]  }
0x221: {  	v55 =	vld [tilespmem:s24+$0x89B0]  }
0x222: {  	v56 =	vld [tilespmem:s24+$0x79C0]  }
0x223: {  	v57 =	vld [tilespmem:s24+$0x89C0]  }
0x224: {  	v58 =	vld [tilespmem:s24+$0x79D0]  }
0x225: {  	v59 =	vld [tilespmem:s24+$0x89D0]  }
0x226: {  	v60 =	vld [tilespmem:s24+$0x79E0]  }
0x227: {  	v61 =	vld [tilespmem:s24+$0x89E0]  }
0x228: {  	v62 =	vld [tilespmem:s24+$0x9800]  }
0x229: {  	v63 =	vld [tilespmem:s24+$0x9810]  }
0x22a: {  	v19 =	vld [tilespmem:s24+$0x9820]  }
0x22b: {  	v21 =	vld [tilespmem:s24+$0x9830]  }
0x22c: {  	v20 =	vld [tilespmem:s24+$0x9840]  }
0x22d: {  	v22 =	vld [tilespmem:s24+$0x9850]  }
0x22e: {  	v0 =	vadd.f32 v1, v0;
	v23 =	vld [tilespmem:s24+$0x9860]  }
0x22f: {  	v26 =	vld [tilespmem:s24+$0x9870]  }
0x230: {  	v0 =	vadd.f32 v3, v0;
	v25 =	vld [tilespmem:s24+$0x9880]  }
0x231: {  	v27 =	vld [tilespmem:s24+$0x9890]  }
0x232: {  	v0 =	vadd.f32 v5, v0;
	v28 =	vld [tilespmem:s24+$0x98A0]  }
0x233: {  	v30 =	vld [tilespmem:s24+$0x98B0]  }
0x234: {  	v0 =	vadd.f32 v7, v0;
	v31 =	vld [tilespmem:s24+$0x98C0]  }
0x235: {  	v34 =	vld [tilespmem:s24+$0x98D0]  }
0x236: {  	[tilespmem:s24+$0xD9F0] =	vst v0;
	v0 =	vld [tilespmem:s24+$0x9930]  }
0x237: {  	v33 =	vld [tilespmem:s24+$0x98E0]  }
0x238: {  	v35 =	vld [tilespmem:s24+$0x98F0]  }
0x239: {  	v36 =	vld [tilespmem:s24+$0x9900]  }
0x23a: {  	v38 =	vld [tilespmem:s24+$0x9910]  }
0x23b: {  	v39 =	vld [tilespmem:s24+$0x9920];
	[tilespmem:$0x1FBC0] =	vst v0  }
0x23c: {  	v0 =	vld [tilespmem:s24+$0x9950];
	_ =	sdelay $0x4  }
0x23d: {  	v43 =	vld [tilespmem:s24+$0x9940];
	[tilespmem:$0x1FBD0] =	vst v0  }
0x23e: {  	v0 =	vld [tilespmem:s24+$0x9960];
	_ =	sdelay $0x4  }
0x23f: {  	[tilespmem:$0x1FBE0] =	vst v0  }
0x240: {  	v0 =	vld [tilespmem:s24+$0x9970];
	_ =	sdelay $0x4  }
0x241: {  	[tilespmem:$0x1FBF0] =	vst v0  }
0x242: {  	v0 =	vld [tilespmem:s24+$0x9980];
	_ =	sdelay $0x4  }
0x243: {  	[tilespmem:$0x1FC00] =	vst v0  }
0x244: {  	v0 =	vld [tilespmem:s24+$0x9990];
	_ =	sdelay $0x4  }
0x245: {  	[tilespmem:$0x1FC10] =	vst v0  }
0x246: {  	v0 =	vld [tilespmem:s24+$0x99A0];
	_ =	sdelay $0x4  }
0x247: {  	[tilespmem:$0x1FC20] =	vst v0  }
0x248: {  	v0 =	vld [tilespmem:s24+$0x99B0];
	_ =	sdelay $0x4  }
0x249: {  	[tilespmem:$0x1FC30] =	vst v0  }
0x24a: {  	v0 =	vld [tilespmem:s24+$0x99C0];
	_ =	sdelay $0x4  }
0x24b: {  	[tilespmem:$0x1FC50] =	vst v0  }
0x24c: {  	v0 =	vld [tilespmem:s24+$0x99D0];
	_ =	sdelay $0x4  }
0x24d: {  	[tilespmem:$0x1FC60] =	vst v0  }
0x24e: {  	v0 =	vld [tilespmem:s24+$0x99E0];
	_ =	sdelay $0x4  }
0x24f: {  	[tilespmem:$0x1FC70] =	vst v0  }
0x250: {  	v0 =	vld [tilespmem:s24+$0xA800];
	_ =	sdelay $0x4  }
0x251: {  	[tilespmem:$0x1FC40] =	vst v0  }
0x252: {  	v0 =	vld [tilespmem:s24+$0xA810];
	_ =	sdelay $0x4  }
0x253: {  	[tilespmem:$0x1FC80] =	vst v0  }
0x254: {  	v1 =	vld [tilespmem:s24+$0xA820];
	_ =	sdelay $0x4  }
0x255: {  	[tilespmem:$0x1FC90] =	vst v1  }
0x256: {  	v0 =	vadd.f32 v4, v2;
	v2 =	vld [tilespmem:s24+$0xA830];
	_ =	sdelay $0x4  }
0x257: {  	v5 =	vld [tilespmem:$0x1FA50];
	[tilespmem:$0x1FCA0] =	vst v2  }
0x258: {  	v3 =	vld [tilespmem:s24+$0xA840]  }
0x259: {  	v4 =	vld [tilespmem:$0x1FA40];
	_ =	sdelay $0x3  }
0x25a: {  	[tilespmem:$0x1FCB0] =	vst v3  }
0x25b: {  	v2 =	vadd.f32 v14, v13;
	v14 =	vadd.f32 v5, v4;
	v4 =	vld [tilespmem:s24+$0xA850];
	_ =	sdelay $0x3  }
0x25c: {  	v5 =	vld [tilespmem:$0x1FA70]  }
0x25d: {  	[tilespmem:$0x1FCC0] =	vst v4;
	v4 =	vld [tilespmem:$0x1FA60];
	_ =	sdelay $0x3  }
0x25e: {  	v16 =	vadd.f32 v9, v6;
	v6 =	vld [tilespmem:$0x1FA90]  }
0x25f: {  	v4 =	vadd.f32 v5, v4;
	v5 =	vld [tilespmem:$0x1FA80];
	_ =	sdelay $0x3  }
0x260: {  	v1 =	vadd.f32 v10, v8  }
0x261: {  	v10 =	vadd.f32 v18, v15;
	v18 =	vadd.f32 v6, v5;
	v5 =	vld [tilespmem:s24+$0xA860];
	_ =	sdelay $0x3  }
0x262: {  	v6 =	vld [tilespmem:$0x1FAB0]  }
0x263: {  	[tilespmem:$0x1FCD0] =	vst v5;
	v5 =	vld [tilespmem:$0x1FAA0];
	_ =	sdelay $0x3  }
0x264: {  	v7 =	vld [tilespmem:$0x1FAD0]  }
0x265: {  	v5 =	vadd.f32 v6, v5;
	v6 =	vld [tilespmem:$0x1FAC0];
	_ =	sdelay $0x4  }
0x266: {  	v12 =	vadd.f32 v12, v11;
	v11 =	vadd.f32 v7, v6;
	v6 =	vld [tilespmem:s24+$0xA870];
	_ =	sdelay $0x3  }
0x267: {  	v7 =	vld [tilespmem:$0x1FAF0]  }
0x268: {  	[tilespmem:$0x1FCE0] =	vst v6;
	v6 =	vld [tilespmem:$0x1FAE0];
	_ =	sdelay $0x3  }
0x269: {  	v8 =	vld [tilespmem:$0x1FB10]  }
0x26a: {  	v6 =	vadd.f32 v7, v6;
	v7 =	vld [tilespmem:$0x1FB00];
	_ =	sdelay $0x4  }
0x26b: {  	v13 =	vadd.f32 v8, v7;
	v7 =	vld [tilespmem:s24+$0xA880];
	_ =	sdelay $0x3  }
0x26c: {  	v8 =	vld [tilespmem:$0x1FB30]  }
0x26d: {  	[tilespmem:$0x1FCF0] =	vst v7;
	v7 =	vld [tilespmem:$0x1FB20];
	_ =	sdelay $0x3  }
0x26e: {  	v9 =	vld [tilespmem:$0x1FB50]  }
0x26f: {  	v7 =	vadd.f32 v8, v7;
	v8 =	vld [tilespmem:$0x1FB40];
	_ =	sdelay $0x4  }
0x270: {  	v15 =	vadd.f32 v9, v8;
	v8 =	vld [tilespmem:$0x1FB60]  }
0x271: {  	v9 =	vld [tilespmem:$0x1FB70];
	_ =	sdelay $0x4  }
0x272: {  	v8 =	vadd.f32 v9, v8;
	v9 =	vld [tilespmem:$0x1FB80];
	_ =	sdelay $0x4  }
0x273: {  	v3 =	vadd.f32 v42, v17;
	v17 =	vadd.f32 v41, v9;
	v9 =	vld [tilespmem:s24+$0xA8A0];
	_ =	sdelay $0x2  }
0x274: {  	v42 =	vld [tilespmem:s24+$0xA890]  }
0x275: {  	v41 =	vld [tilespmem:$0x1FBA0]  }
0x276: {  	[tilespmem:$0x1FD00] =	vst v9;
	v9 =	vld [tilespmem:$0x1FB90];
	_ =	sdelay $0x4  }
0x277: {  	v9 =	vadd.f32 v41, v9;
	v41 =	vld [tilespmem:$0x1FBB0]  }
0x278: {  	v37 =	vadd.f32 v37, v44;
	_ =	sdelay $0x1  }
0x279: {  	v6 =	vadd.f32 v31, v6;
	v31 =	vadd.f32 v43, v37;
	v43 =	vld [tilespmem:$0x1FC10]  }
0x27a: {  	v24 =	vadd.f32 v24, v47;
	v0 =	vadd.f32 v62, v0;
	v62 =	vld [tilespmem:$0x1FC00]  }
0x27b: {  	v47 =	vadd.f32 v51, v50;
	v40 =	vadd.f32 v40, v41;
	v41 =	vld [tilespmem:s24+$0xA8B0]  }
0x27c: {  	v50 =	vadd.f32 v55, v54;
	v55 =	vadd.f32 v61, v60;
	v61 =	vld [tilespmem:$0x1FBF0]  }
0x27d: {  	v29 =	vadd.f32 v29, v46;
	v46 =	vadd.f32 v49, v48;
	v49 =	vld [tilespmem:$0x1FC40]  }
0x27e: {  	v37 =	vadd.f32 v43, v47;
	v47 =	vld [tilespmem:$0x1FC30]  }
0x27f: {  	v15 =	vadd.f32 v35, v15;
	v35 =	vadd.f32 v62, v46;
	v46 =	vld [tilespmem:$0x1FC20]  }
0x280: {  	[tilespmem:$0x1FD10] =	vst v41;
	v41 =	vadd.f32 v53, v52;
	v52 =	vadd.f32 v57, v56;
	v57 =	vld [tilespmem:$0x1FBC0]  }
0x281: {  	v53 =	vadd.f32 v59, v58;
	v58 =	vld [tilespmem:$0x1FBD0]  }
0x282: {  	v59 =	vld [tilespmem:$0x1FBE0]  }
0x283: {  	v44 =	vld [tilespmem:s24+$0xA8C0]  }
0x284: {  	v32 =	vadd.f32 v32, v45;
	v45 =	vld [tilespmem:s24+$0xA8D0]  }
0x285: {  	v48 =	vld [tilespmem:s24+$0xA8E0]  }
0x286: {  	v51 =	vld [tilespmem:s24+$0xA8F0]  }
0x287: {  	v54 =	vld [tilespmem:s24+$0xA900]  }
0x288: {  	v56 =	vld [tilespmem:s24+$0xA910]  }
0x289: {  	v1 =	vadd.f32 v19, v1;
	v19 =	vld [tilespmem:s24+$0xA920]  }
0x28a: {  	v2 =	vadd.f32 v20, v2;
	v20 =	vld [tilespmem:s24+$0xA930]  }
0x28b: {  	v12 =	vadd.f32 v21, v12;
	v21 =	vld [tilespmem:s24+$0xA940]  }
0x28c: {  	v10 =	vadd.f32 v22, v10;
	v22 =	vld [tilespmem:s24+$0xA950]  }
0x28d: {  	v3 =	vadd.f32 v23, v3;
	v23 =	vld [tilespmem:s24+$0xA960]  }
0x28e: {  	v4 =	vadd.f32 v25, v4;
	v25 =	vld [tilespmem:s24+$0xA970]  }
0x28f: {  	v14 =	vadd.f32 v26, v14;
	v26 =	vld [tilespmem:s24+$0xA980]  }
0x290: {  	v18 =	vadd.f32 v27, v18;
	v27 =	vld [tilespmem:s24+$0xA990]  }
0x291: {  	v5 =	vadd.f32 v28, v5;
	v28 =	vld [tilespmem:s24+$0xA9A0]  }
0x292: {  	v7 =	vadd.f32 v33, v7;
	v33 =	vld [tilespmem:s24+$0xA9B0]  }
0x293: {  	v60 =	vld [tilespmem:s24+$0xB800]  }
0x294: {  	v16 =	vadd.f32 v63, v16;
	v63 =	vld [tilespmem:s24+$0xB810]  }
0x295: {  	v9 =	vadd.f32 v39, v9;
	v39 =	vld [tilespmem:s24+$0xB820]  }
0x296: {  	v11 =	vadd.f32 v30, v11;
	v13 =	vadd.f32 v34, v13;
	v34 =	vld [tilespmem:s24+$0xB850]  }
0x297: {  	v30 =	vadd.f32 v57, v40;
	v40 =	vadd.f32 v47, v50;
	v50 =	vld [tilespmem:$0x1FC50]  }
0x298: {  	v62 =	vld [tilespmem:s24+$0xB880]  }
0x299: {  	v17 =	vadd.f32 v38, v17;
	v38 =	vadd.f32 v46, v41;
	v41 =	vld [tilespmem:s24+$0xB830]  }
0x29a: {  	v47 =	vld [tilespmem:s24+$0xB840]  }
0x29b: {  	v57 =	vld [tilespmem:$0x1FC80]  }
0x29c: {  	v43 =	vadd.f32 v50, v52;
	v52 =	vld [tilespmem:$0x1FC60]  }
0x29d: {  	v0 =	vadd.f32 v49, v0;
	v32 =	vadd.f32 v58, v32;
	v58 =	vld [tilespmem:$0x1FC90]  }
0x29e: {  	v29 =	vadd.f32 v59, v29;
	v59 =	vld [tilespmem:$0x1FCA0]  }
0x29f: {  	v0 =	vadd.f32 v60, v0;
	v60 =	vld [tilespmem:$0x1FCB0]  }
0x2a0: {  	v50 =	vld [tilespmem:s24+$0xB860]  }
0x2a1: {  	v46 =	vadd.f32 v52, v53;
	v53 =	vld [tilespmem:$0x1FC70];
	[tilespmem:s24+$0xD800] =	vst v0  }
0x2a2: {  	v0 =	vld [tilespmem:$0x1FCC0]  }
0x2a3: {  	v16 =	vadd.f32 v57, v16;
	v52 =	vld [tilespmem:s24+$0xA9C0]  }
0x2a4: {  	v24 =	vadd.f32 v61, v24;
	v61 =	vld [tilespmem:$0x1FCE0]  }
0x2a5: {  	v16 =	vadd.f32 v63, v16;
	v63 =	vld [tilespmem:$0x1FCF0]  }
0x2a6: {  	v1 =	vadd.f32 v58, v1;
	v49 =	vadd.f32 v53, v55;
	v53 =	vld [tilespmem:s24+$0xB890]  }
0x2a7: {  	v18 =	vadd.f32 v42, v18;
	v0 =	vadd.f32 v0, v10;
	v10 =	vld [tilespmem:$0x1FCD0]  }
0x2a8: {  	v8 =	vadd.f32 v36, v8;
	v1 =	vadd.f32 v39, v1;
	v55 =	vld [tilespmem:s24+$0xB8A0];
	[tilespmem:s24+$0xD810] =	vst v16  }
0x2a9: {  	v6 =	vadd.f32 v44, v6;
	v12 =	vadd.f32 v59, v12;
	v57 =	vld [tilespmem:$0x1FD00]  }
0x2aa: {  	v2 =	vadd.f32 v60, v2;
	v14 =	vadd.f32 v61, v14;
	v61 =	vld [tilespmem:s24+$0xA9E0];
	[tilespmem:s24+$0xD820] =	vst v1  }
0x2ab: {  	v12 =	vadd.f32 v41, v12;
	v4 =	vadd.f32 v63, v4;
	v58 =	vld [tilespmem:$0x1FD10]  }
0x2ac: {  	v1 =	vadd.f32 v47, v2;
	v3 =	vadd.f32 v10, v3;
	v10 =	vld [tilespmem:s24+$0xB870]  }
0x2ad: {  	v13 =	vadd.f32 v45, v13;
	[tilespmem:s24+$0xD830] =	vst v12;
	v0 =	vadd.f32 v34, v0;
	v12 =	vld [tilespmem:s24+$0xB8C0]  }
0x2ae: {  	v2 =	vld [tilespmem:s24+$0xB8B0];
	[tilespmem:s24+$0xD840] =	vst v1;
	v1 =	vadd.f32 v62, v4;
	v5 =	vadd.f32 v57, v5  }
0x2af: {  	v7 =	vadd.f32 v48, v7;
	v4 =	vld [tilespmem:s24+$0xB8D0];
	[tilespmem:s24+$0xD850] =	vst v0;
	v3 =	vadd.f32 v50, v3  }
0x2b0: {  	[tilespmem:s24+$0xD880] =	vst v1;
	v1 =	vadd.f32 v51, v15;
	v15 =	vld [tilespmem:s24+$0xB8F0];
	v5 =	vadd.f32 v55, v5  }
0x2b1: {  	v0 =	vld [tilespmem:s24+$0xB8E0];
	v11 =	vadd.f32 v58, v11;
	[tilespmem:s24+$0xD860] =	vst v3;
	v10 =	vadd.f32 v10, v14  }
0x2b2: {  	v3 =	vadd.f32 v53, v18;
	[tilespmem:s24+$0xD8A0] =	vst v5;
	v5 =	vadd.f32 v12, v6;
	v6 =	vld [tilespmem:s24+$0xB920]  }
0x2b3: {  	v8 =	vadd.f32 v54, v8;
	v2 =	vadd.f32 v2, v11;
	[tilespmem:s24+$0xD870] =	vst v10;
	v10 =	vld [tilespmem:s24+$0xB900]  }
0x2b4: {  	v9 =	vadd.f32 v19, v9;
	v59 =	vadd.f32 v56, v17;
	[tilespmem:s24+$0xD890] =	vst v3;
	v3 =	vld [tilespmem:s24+$0xB910]  }
0x2b5: {  	v1 =	vadd.f32 v15, v1;
	[tilespmem:s24+$0xD8B0] =	vst v2;
	v2 =	vadd.f32 v4, v13;
	v4 =	vld [tilespmem:s24+$0xB930]  }
0x2b6: {  	v60 =	vadd.f32 v25, v24;
	v62 =	vadd.f32 v26, v35;
	[tilespmem:s24+$0xD8C0] =	vst v5;
	v5 =	vld [tilespmem:s24+$0xB940]  }
0x2b7: {  	v63 =	vld [tilespmem:s24+$0xB970];
	v11 =	vadd.f32 v20, v30;
	v0 =	vadd.f32 v0, v7;
	[tilespmem:s24+$0xD8F0] =	vst v1  }
0x2b8: {  	[tilespmem:s24+$0xD8D0] =	vst v2;
	v1 =	vadd.f32 v6, v9;
	v2 =	vadd.f32 v10, v8;
	v8 =	vld [tilespmem:s24+$0xB950]  }
0x2b9: {  	v12 =	vadd.f32 v21, v31;
	v15 =	vld [tilespmem:s24+$0xB960];
	v13 =	vadd.f32 v22, v32;
	[tilespmem:s24+$0xD8E0] =	vst v0  }
0x2ba: {  	v14 =	vld [tilespmem:s24+$0xA9D0];
	v0 =	vadd.f32 v3, v59;
	v3 =	vadd.f32 v27, v37;
	[tilespmem:s24+$0xD920] =	vst v1  }
0x2bb: {  	v5 =	vadd.f32 v5, v12;
	[tilespmem:s24+$0xD900] =	vst v2;
	v2 =	vadd.f32 v4, v11;
	v11 =	vld [tilespmem:s24+$0xB980]  }
0x2bc: {  	v7 =	vld [tilespmem:s24+$0xB990];
	v10 =	vadd.f32 v23, v29;
	v1 =	vadd.f32 v33, v40;
	[tilespmem:s24+$0xD910] =	vst v0  }
0x2bd: {  	v6 =	vld [tilespmem:s24+$0xB9A0];
	v12 =	vadd.f32 v63, v60;
	[tilespmem:s24+$0xD940] =	vst v5;
	v9 =	vadd.f32 v8, v13  }
0x2be: {  	v0 =	vadd.f32 v28, v38;
	v10 =	vadd.f32 v15, v10;
	[tilespmem:s24+$0xD930] =	vst v2;
	v8 =	vld [tilespmem:s24+$0xB9B0]  }
0x2bf: {  	v4 =	vadd.f32 v52, v43;
	v5 =	vadd.f32 v14, v46;
	[tilespmem:s24+$0xD950] =	vst v9;
	v9 =	vld [tilespmem:s24+$0xB9C0]  }
0x2c0: {  	s25 =	simm.s32 $0x0;
	s26 =	simm.s32 $0x800;
	v2 =	vadd.f32 v61, v49;
	[tilespmem:s24+$0xD960] =	vst v10;
	v10 =	vld [tilespmem:s24+$0xB9D0];
	v11 =	vadd.f32 v11, v62  }
.LBB2_9:
0x2c1: {  	s28 =	sshra.s32 s26, $0x2;
	[tilespmem:s24+$0xD970] =	vst v12;
	v3 =	vadd.f32 v7, v3;
	v7 =	vld [tilespmem:s24+$0xB9E0]  }
0x2c2: {  	s25 =	sadd.s32 $0x4, s25;
	v12 =	vld [tilespmem:s28+$0x79F0];
	[tilespmem:s24+$0xD980] =	vst v11;
	v0 =	vadd.f32 v6, v0  }
0x2c3: {  	p0 =	slt.u32 s25, $0x1C;
	v6 =	vld [tilespmem:s28+$0x89F0];
	[tilespmem:s24+$0xD990] =	vst v3;
	v1 =	vadd.f32 v8, v1  }
0x2c4: {  	v3 =	vld [tilespmem:s28+$0x7800];
	[tilespmem:s24+$0xD9A0] =	vst v0;
	v0 =	vadd.f32 v9, v4  }
0x2c5: {  	v4 =	vld [tilespmem:s28+$0x99F0];
	[tilespmem:s24+$0xD9B0] =	vst v1;
	v1 =	vadd.f32 v10, v5  }
0x2c6: {  	v5 =	vld [tilespmem:s28+$0x8800];
	[tilespmem:s24+$0xD9C0] =	vst v0;
	v0 =	vadd.f32 v7, v2  }
0x2c7: {  	v2 =	vld [tilespmem:s28+$0xA9F0];
	[tilespmem:s24+$0xD9D0] =	vst v1  }
0x2c8: {  	v1 =	vld [tilespmem:s28+$0x7810];
	v6 =	vadd.f32 v6, v12;
	[tilespmem:s24+$0xD9E0] =	vst v0;
	s24 =	smov.u32 s28  }
0x2c9: {  	v7 =	vld [tilespmem:s24+$0xB9F0]  }
0x2ca: {  	v8 =	vld [tilespmem:s24+$0x8810];
	v4 =	vadd.f32 v4, v6  }
0x2cb: {  	v0 =	vadd.f32 v5, v3;
	v3 =	vld [tilespmem:s24+$0x7820]  }
0x2cc: {  	v5 =	vld [tilespmem:s24+$0x8820];
	v2 =	vadd.f32 v2, v4  }
0x2cd: {  	v4 =	vld [tilespmem:s24+$0x7830]  }
0x2ce: {  	v6 =	vld [tilespmem:s24+$0x8830];
	v2 =	vadd.f32 v7, v2  }
0x2cf: {  	v1 =	vadd.f32 v8, v1;
	v7 =	vld [tilespmem:s24+$0x7840]  }
0x2d0: {  	v8 =	vld [tilespmem:s24+$0x8840];
	[tilespmem:s24+$0xD9F0] =	vst v2  }
0x2d1: {  	v2 =	vadd.f32 v5, v3;
	v5 =	vld [tilespmem:s24+$0x7850]  }
0x2d2: {  	v9 =	vld [tilespmem:s24+$0x8850]  }
0x2d3: {  	v3 =	vadd.f32 v6, v4;
	v6 =	vld [tilespmem:s24+$0x7860]  }
0x2d4: {  	v10 =	vld [tilespmem:s24+$0x8860]  }
0x2d5: {  	v4 =	vadd.f32 v8, v7;
	v7 =	vld [tilespmem:s24+$0x7870]  }
0x2d6: {  	v8 =	vld [tilespmem:s24+$0x8870]  }
0x2d7: {  	v5 =	vadd.f32 v9, v5;
	v9 =	vld [tilespmem:s24+$0x7880]  }
0x2d8: {  	v11 =	vld [tilespmem:s24+$0x8880]  }
0x2d9: {  	v6 =	vadd.f32 v10, v6;
	v10 =	vld [tilespmem:s24+$0x7890]  }
0x2da: {  	v12 =	vld [tilespmem:s24+$0x8890]  }
0x2db: {  	v7 =	vadd.f32 v8, v7;
	v13 =	vld [tilespmem:s24+$0x78A0]  }
0x2dc: {  	v14 =	vld [tilespmem:s24+$0x88A0]  }
0x2dd: {  	v8 =	vadd.f32 v11, v9;
	v11 =	vld [tilespmem:s24+$0x78B0]  }
0x2de: {  	v15 =	vld [tilespmem:s24+$0x88B0]  }
0x2df: {  	v9 =	vadd.f32 v12, v10;
	v12 =	vld [tilespmem:s24+$0x78C0]  }
0x2e0: {  	v16 =	vld [tilespmem:s24+$0x88C0]  }
0x2e1: {  	v10 =	vadd.f32 v14, v13;
	v13 =	vld [tilespmem:s24+$0x78D0]  }
0x2e2: {  	v14 =	vld [tilespmem:s24+$0x88D0]  }
0x2e3: {  	v11 =	vadd.f32 v15, v11;
	v15 =	vld [tilespmem:s24+$0x78E0]  }
0x2e4: {  	v17 =	vld [tilespmem:s24+$0x88E0]  }
0x2e5: {  	v12 =	vadd.f32 v16, v12;
	v16 =	vld [tilespmem:s24+$0x78F0]  }
0x2e6: {  	v18 =	vld [tilespmem:s24+$0x88F0]  }
0x2e7: {  	v13 =	vadd.f32 v14, v13;
	v14 =	vld [tilespmem:s24+$0x7900]  }
0x2e8: {  	v19 =	vld [tilespmem:s24+$0x8900]  }
0x2e9: {  	v15 =	vadd.f32 v17, v15;
	v17 =	vld [tilespmem:s24+$0x7910]  }
0x2ea: {  	v20 =	vld [tilespmem:s24+$0x8910]  }
0x2eb: {  	v16 =	vadd.f32 v18, v16;
	v18 =	vld [tilespmem:s24+$0x7920]  }
0x2ec: {  	v21 =	vld [tilespmem:s24+$0x8920]  }
0x2ed: {  	v14 =	vadd.f32 v19, v14;
	v19 =	vld [tilespmem:s24+$0x7930]  }
0x2ee: {  	v22 =	vld [tilespmem:s24+$0x8930]  }
0x2ef: {  	v17 =	vadd.f32 v20, v17;
	v20 =	vld [tilespmem:s24+$0x7940]  }
0x2f0: {  	v23 =	vld [tilespmem:s24+$0x8940]  }
0x2f1: {  	v18 =	vadd.f32 v21, v18;
	v21 =	vld [tilespmem:s24+$0x7950]  }
0x2f2: {  	v24 =	vld [tilespmem:s24+$0x8950]  }
0x2f3: {  	v19 =	vadd.f32 v22, v19;
	v22 =	vld [tilespmem:s24+$0x7960]  }
0x2f4: {  	v25 =	vld [tilespmem:s24+$0x8960]  }
0x2f5: {  	v20 =	vadd.f32 v23, v20;
	v23 =	vld [tilespmem:s24+$0x7970]  }
0x2f6: {  	v26 =	vld [tilespmem:s24+$0x8970]  }
0x2f7: {  	v21 =	vadd.f32 v24, v21;
	v24 =	vld [tilespmem:s24+$0x7980]  }
0x2f8: {  	v27 =	vld [tilespmem:s24+$0x8980]  }
0x2f9: {  	v22 =	vadd.f32 v25, v22;
	v25 =	vld [tilespmem:s24+$0x7990]  }
0x2fa: {  	v28 =	vld [tilespmem:s24+$0x8990]  }
0x2fb: {  	v23 =	vadd.f32 v26, v23;
	v26 =	vld [tilespmem:s24+$0x79A0]  }
0x2fc: {  	v29 =	vld [tilespmem:s24+$0x89A0]  }
0x2fd: {  	v24 =	vadd.f32 v27, v24;
	v27 =	vld [tilespmem:s24+$0x79B0]  }
0x2fe: {  	v30 =	vld [tilespmem:s24+$0x89B0]  }
0x2ff: {  	v25 =	vadd.f32 v28, v25;
	v28 =	vld [tilespmem:s24+$0x79C0]  }
0x300: {  	v31 =	vld [tilespmem:s24+$0x89C0]  }
0x301: {  	v26 =	vadd.f32 v29, v26;
	v29 =	vld [tilespmem:s24+$0x79D0]  }
0x302: {  	v32 =	vld [tilespmem:s24+$0x89D0]  }
0x303: {  	v27 =	vadd.f32 v30, v27;
	v30 =	vld [tilespmem:s24+$0x79E0]  }
0x304: {  	v33 =	vld [tilespmem:s24+$0x89E0]  }
0x305: {  	v34 =	vld [tilespmem:s24+$0x9800];
	v28 =	vadd.f32 v31, v28  }
0x306: {  	v31 =	vld [tilespmem:s24+$0x9810]  }
0x307: {  	v35 =	vld [tilespmem:s24+$0x9820];
	v29 =	vadd.f32 v32, v29  }
0x308: {  	v32 =	vld [tilespmem:s24+$0x9830]  }
0x309: {  	v36 =	vld [tilespmem:s24+$0x9840];
	v30 =	vadd.f32 v33, v30  }
0x30a: {  	v0 =	vadd.f32 v34, v0;
	v33 =	vld [tilespmem:s24+$0x9850]  }
0x30b: {  	v1 =	vadd.f32 v31, v1;
	v31 =	vld [tilespmem:s24+$0x9860]  }
0x30c: {  	v2 =	vadd.f32 v35, v2;
	v34 =	vld [tilespmem:s24+$0x9870]  }
0x30d: {  	v3 =	vadd.f32 v32, v3;
	v32 =	vld [tilespmem:s24+$0x9880]  }
0x30e: {  	v4 =	vadd.f32 v36, v4;
	v35 =	vld [tilespmem:s24+$0x9890]  }
0x30f: {  	v5 =	vadd.f32 v33, v5;
	v33 =	vld [tilespmem:s24+$0x98A0]  }
0x310: {  	v6 =	vadd.f32 v31, v6;
	v31 =	vld [tilespmem:s24+$0x98B0]  }
0x311: {  	v7 =	vadd.f32 v34, v7;
	v34 =	vld [tilespmem:s24+$0x98C0]  }
0x312: {  	v8 =	vadd.f32 v32, v8;
	v32 =	vld [tilespmem:s24+$0x98D0]  }
0x313: {  	v9 =	vadd.f32 v35, v9;
	v35 =	vld [tilespmem:s24+$0x98E0]  }
0x314: {  	v10 =	vadd.f32 v33, v10;
	v33 =	vld [tilespmem:s24+$0x98F0]  }
0x315: {  	v11 =	vadd.f32 v31, v11;
	v31 =	vld [tilespmem:s24+$0x9900]  }
0x316: {  	v12 =	vadd.f32 v34, v12;
	v34 =	vld [tilespmem:s24+$0x9910]  }
0x317: {  	v13 =	vadd.f32 v32, v13;
	v32 =	vld [tilespmem:s24+$0x9920]  }
0x318: {  	v15 =	vadd.f32 v35, v15;
	v35 =	vld [tilespmem:s24+$0x9930]  }
0x319: {  	v16 =	vadd.f32 v33, v16;
	v33 =	vld [tilespmem:s24+$0x9940]  }
0x31a: {  	v14 =	vadd.f32 v31, v14;
	v31 =	vld [tilespmem:s24+$0x9950]  }
0x31b: {  	v17 =	vadd.f32 v34, v17;
	v34 =	vld [tilespmem:s24+$0x9960]  }
0x31c: {  	v18 =	vadd.f32 v32, v18;
	v32 =	vld [tilespmem:s24+$0x9970]  }
0x31d: {  	v19 =	vadd.f32 v35, v19;
	v35 =	vld [tilespmem:s24+$0x9980]  }
0x31e: {  	v20 =	vadd.f32 v33, v20;
	v33 =	vld [tilespmem:s24+$0x9990]  }
0x31f: {  	v21 =	vadd.f32 v31, v21;
	v31 =	vld [tilespmem:s24+$0x99A0]  }
0x320: {  	v22 =	vadd.f32 v34, v22;
	v34 =	vld [tilespmem:s24+$0x99B0]  }
0x321: {  	v23 =	vadd.f32 v32, v23;
	v32 =	vld [tilespmem:s24+$0x99C0]  }
0x322: {  	v24 =	vadd.f32 v35, v24;
	v35 =	vld [tilespmem:s24+$0x99D0]  }
0x323: {  	v25 =	vadd.f32 v33, v25;
	v33 =	vld [tilespmem:s24+$0x99E0]  }
0x324: {  	v36 =	vld [tilespmem:s24+$0xA800];
	v26 =	vadd.f32 v31, v26  }
0x325: {  	v31 =	vld [tilespmem:s24+$0xA810];
	v27 =	vadd.f32 v34, v27  }
0x326: {  	v34 =	vld [tilespmem:s24+$0xA820];
	v28 =	vadd.f32 v32, v28  }
0x327: {  	v32 =	vld [tilespmem:s24+$0xA830];
	v29 =	vadd.f32 v35, v29  }
0x328: {  	v35 =	vld [tilespmem:s24+$0xA840];
	v30 =	vadd.f32 v33, v30  }
0x329: {  	v33 =	vadd.f32 v36, v0;
	v0 =	vld [tilespmem:s24+$0xA850]  }
0x32a: {  	v31 =	vadd.f32 v31, v1;
	v1 =	vld [tilespmem:s24+$0xA860]  }
0x32b: {  	v34 =	vadd.f32 v34, v2;
	v2 =	vld [tilespmem:s24+$0xA870]  }
0x32c: {  	v32 =	vadd.f32 v32, v3;
	v3 =	vld [tilespmem:s24+$0xA880]  }
0x32d: {  	v35 =	vadd.f32 v35, v4;
	v4 =	vld [tilespmem:s24+$0xA890]  }
0x32e: {  	v36 =	vadd.f32 v0, v5;
	v0 =	vld [tilespmem:s24+$0xA8A0]  }
0x32f: {  	v6 =	vadd.f32 v1, v6;
	v1 =	vld [tilespmem:s24+$0xA8B0]  }
0x330: {  	v7 =	vadd.f32 v2, v7;
	v2 =	vld [tilespmem:s24+$0xA8C0]  }
0x331: {  	v8 =	vadd.f32 v3, v8;
	v3 =	vld [tilespmem:s24+$0xA8D0]  }
0x332: {  	v9 =	vadd.f32 v4, v9;
	v4 =	vld [tilespmem:s24+$0xA8E0]  }
0x333: {  	v10 =	vadd.f32 v0, v10;
	v0 =	vld [tilespmem:s24+$0xA8F0]  }
0x334: {  	v11 =	vadd.f32 v1, v11;
	v1 =	vld [tilespmem:s24+$0xA900]  }
0x335: {  	v12 =	vadd.f32 v2, v12;
	v2 =	vld [tilespmem:s24+$0xA910]  }
0x336: {  	v13 =	vadd.f32 v3, v13;
	v3 =	vld [tilespmem:s24+$0xA920]  }
0x337: {  	v15 =	vadd.f32 v4, v15;
	v4 =	vld [tilespmem:s24+$0xA930]  }
0x338: {  	v16 =	vadd.f32 v0, v16;
	v0 =	vld [tilespmem:s24+$0xA940]  }
0x339: {  	v14 =	vadd.f32 v1, v14;
	v1 =	vld [tilespmem:s24+$0xA950]  }
0x33a: {  	v17 =	vadd.f32 v2, v17;
	v2 =	vld [tilespmem:s24+$0xA960]  }
0x33b: {  	v18 =	vadd.f32 v3, v18;
	v3 =	vld [tilespmem:s24+$0xA970]  }
0x33c: {  	v19 =	vadd.f32 v4, v19;
	v4 =	vld [tilespmem:s24+$0xA980]  }
0x33d: {  	v20 =	vadd.f32 v0, v20;
	v0 =	vld [tilespmem:s24+$0xA990]  }
0x33e: {  	v21 =	vadd.f32 v1, v21;
	v1 =	vld [tilespmem:s24+$0xA9A0]  }
0x33f: {  	v22 =	vadd.f32 v2, v22;
	v2 =	vld [tilespmem:s24+$0xA9B0]  }
0x340: {  	v23 =	vadd.f32 v3, v23;
	v5 =	vld [tilespmem:s24+$0xA9C0]  }
0x341: {  	v24 =	vadd.f32 v4, v24;
	v37 =	vld [tilespmem:s24+$0xA9D0]  }
0x342: {  	v3 =	vadd.f32 v0, v25;
	v25 =	vld [tilespmem:s24+$0xA9E0]  }
0x343: {  	v38 =	vld [tilespmem:s24+$0xB800];
	v0 =	vadd.f32 v1, v26  }
0x344: {  	v26 =	vld [tilespmem:s24+$0xB810];
	v1 =	vadd.f32 v2, v27  }
0x345: {  	v27 =	vld [tilespmem:s24+$0xB820];
	v4 =	vadd.f32 v5, v28  }
0x346: {  	v28 =	vld [tilespmem:s24+$0xB830];
	v5 =	vadd.f32 v37, v29  }
0x347: {  	v29 =	vld [tilespmem:s24+$0xB840];
	v2 =	vadd.f32 v25, v30  }
0x348: {  	v25 =	vadd.f32 v38, v33;
	v30 =	vld [tilespmem:s24+$0xB850]  }
0x349: {  	v26 =	vadd.f32 v26, v31;
	v31 =	vld [tilespmem:s24+$0xB860]  }
0x34a: {  	[tilespmem:s24+$0xD800] =	vst v25;
	v25 =	vadd.f32 v27, v34;
	v27 =	vld [tilespmem:s24+$0xB870]  }
0x34b: {  	[tilespmem:s24+$0xD810] =	vst v26;
	v26 =	vadd.f32 v28, v32;
	v28 =	vld [tilespmem:s24+$0xB880]  }
0x34c: {  	[tilespmem:s24+$0xD820] =	vst v25;
	v25 =	vadd.f32 v29, v35;
	v29 =	vld [tilespmem:s24+$0xB890]  }
0x34d: {  	[tilespmem:s24+$0xD830] =	vst v26;
	v26 =	vadd.f32 v30, v36;
	v30 =	vld [tilespmem:s24+$0xB8A0]  }
0x34e: {  	[tilespmem:s24+$0xD840] =	vst v25;
	v6 =	vadd.f32 v31, v6;
	v25 =	vld [tilespmem:s24+$0xB8B0]  }
0x34f: {  	[tilespmem:s24+$0xD850] =	vst v26;
	v7 =	vadd.f32 v27, v7;
	v26 =	vld [tilespmem:s24+$0xB8C0]  }
0x350: {  	[tilespmem:s24+$0xD860] =	vst v6;
	v6 =	vadd.f32 v28, v8;
	v8 =	vld [tilespmem:s24+$0xB8D0]  }
0x351: {  	[tilespmem:s24+$0xD870] =	vst v7;
	v7 =	vadd.f32 v29, v9;
	v9 =	vld [tilespmem:s24+$0xB8E0]  }
0x352: {  	[tilespmem:s24+$0xD880] =	vst v6;
	v6 =	vadd.f32 v30, v10;
	v10 =	vld [tilespmem:s24+$0xB8F0]  }
0x353: {  	[tilespmem:s24+$0xD890] =	vst v7;
	v7 =	vadd.f32 v25, v11;
	v11 =	vld [tilespmem:s24+$0xB900]  }
0x354: {  	[tilespmem:s24+$0xD8A0] =	vst v6;
	v6 =	vadd.f32 v26, v12;
	v12 =	vld [tilespmem:s24+$0xB910]  }
0x355: {  	[tilespmem:s24+$0xD8B0] =	vst v7;
	v7 =	vadd.f32 v8, v13;
	v8 =	vld [tilespmem:s24+$0xB920]  }
0x356: {  	[tilespmem:s24+$0xD8C0] =	vst v6;
	v6 =	vadd.f32 v9, v15;
	v9 =	vld [tilespmem:s24+$0xB930]  }
0x357: {  	[tilespmem:s24+$0xD8D0] =	vst v7;
	v7 =	vadd.f32 v10, v16;
	v10 =	vld [tilespmem:s24+$0xB940]  }
0x358: {  	[tilespmem:s24+$0xD8E0] =	vst v6;
	v6 =	vadd.f32 v11, v14;
	v11 =	vld [tilespmem:s24+$0xB950]  }
0x359: {  	[tilespmem:s24+$0xD8F0] =	vst v7;
	v7 =	vadd.f32 v12, v17;
	v12 =	vld [tilespmem:s24+$0xB960]  }
0x35a: {  	[tilespmem:s24+$0xD900] =	vst v6;
	v6 =	vadd.f32 v8, v18;
	v13 =	vld [tilespmem:s24+$0xB970]  }
0x35b: {  	[tilespmem:s24+$0xD910] =	vst v7;
	v8 =	vadd.f32 v9, v19;
	v14 =	vld [tilespmem:s24+$0xB980]  }
.Ltmp4:
0x35c: {  	[tilespmem:s24+$0xD920] =	vst v6;
	v9 =	vadd.f32 v10, v20;
	v7 =	vld [tilespmem:s24+$0xB990];
	(pc) =	sbr.rel @p0 .LBB2_9-.Ltmp4, $4  }
0x35d: {  	[tilespmem:s24+$0xD930] =	vst v8;
	v10 =	vadd.f32 v11, v21;
	v6 =	vld [tilespmem:s24+$0xB9A0]  }
0x35e: {  	[tilespmem:s24+$0xD940] =	vst v9;
	v11 =	vadd.f32 v12, v22;
	v8 =	vld [tilespmem:s24+$0xB9B0]  }
0x35f: {  	[tilespmem:s24+$0xD950] =	vst v10;
	v12 =	vadd.f32 v13, v23;
	v9 =	vld [tilespmem:s24+$0xB9C0]  }
0x360: {  	s26 =	sadd.s32 $0x800, s26;
	[tilespmem:s24+$0xD960] =	vst v11;
	v11 =	vadd.f32 v14, v24;
	v10 =	vld [tilespmem:s24+$0xB9D0]  }
0x361: {  	[tilespmem:s24+$0xD970] =	vst v12;
	v3 =	vadd.f32 v7, v3;
	v60 =	vld [tilespmem:s24+$0xB9E0]  }
0x362: {  	[tilespmem:s24+$0xD980] =	vst v11;
	v0 =	vadd.f32 v6, v0  }
0x363: {  	s22 =	sadd.s32 $0x1, s22;
	[tilespmem:s24+$0xD990] =	vst v3;
	v1 =	vadd.f32 v8, v1  }
0x364: {  	p0 =	sne.s32 s22, $0x8;
	[tilespmem:s24+$0xD9A0] =	vst v0;
	v61 =	vadd.f32 v9, v4  }
.Ltmp5:
0x365: {  	[tilespmem:s24+$0xD9B0] =	vst v1;
	v62 =	vadd.f32 v10, v5;
	(pc) =	sbr.rel @p0 .LBB2_2-.Ltmp5, $4  }
0x366: {  	[tilespmem:s24+$0xD9C0] =	vst v61;
	v63 =	vadd.f32 v60, v2  }
0x367: {  	s23 =	sshll.u32 s23, $0x9;
	[tilespmem:s24+$0xD9D0] =	vst v62  }
0x368: {  	s23 =	sadd.s32 s23, s7;
	[tilespmem:s24+$0xD9E0] =	vst v63  }
0x369: {  	[hbm4b:s23+s3] =	stream.linear.scatter [tilespmem:s19], [sflag:$0x4], $0x1000, $0x38;
	[tilespmem:$0x18D00] =	vst v63  }
0x36a: {  	s21 =	sadd.s32 $0x1, s21  }
0x36b: {  	_ =	swait.ge [sflag:s20], $0x1000;
	p0 =	sne.s32 s21, s8  }
.Ltmp6:
0x36c: {  	[sflag:s20] =	ssyncset.done $0x0;
	(pc) =	sbr.rel @p0 .LBB2_1-.Ltmp6, $4  }
0x36d: {  	[sflag:s20] =	ssyncadd.s32 $0xFFFFF000  }
0x36e: {  	_ =	swait.ge [sflag:s18], $0x1000  }
0x36f: {  	[sflag:s18] =	ssyncset.done $0x0  }
0x370: {  	[sflag:s18] =	ssyncadd.s32 $0xFFFFF000  }
0x371: {  	_ =	sfence.sel $0x180000  }
0x372: {  	[bflag:$0x0] =	sbarrier.arrive $0xFFFF  }
0x373: {  	p0 =	sne.s32 s0, $0x0;
	_ =	strace $0x90000047  }
0x374: {  	s0 =	sadd.s32 @!p0 $0x100000, s1;
	[bflag:$0x2] =	sbarrier.arrive $0xFFFF  }
0x375: {  	[sflag:s0] =	ssyncadd.tile.s32 @!p0 $0x1;
	_ =	shalt  }
.Lfunc_end2:
_tile_overlayer_lowered:
.L_overlay_start_2:
0x376: {  	(tag) =	ssettag $0x2  }
0x377: {  	s0 =	rddreg [dreg:$0x0];
	s2 =	stileid.u32  }
0x378: {  	s1 =	rddreg [dreg:$0x1];
	p0 =	sne.s32 s2, $0x0  }
0x379: {  	s3 =	rddreg [dreg:$0x2];
	[bflag:$0x3] =	sbarrier.arrive $0xFFFF;
	s2 =	simm.s32 @!p0 $0x1C05  }
0x37a: {  	[timem:s3], [sflag:s2] =	dma.local @!p0 [hbm:s0], s1  }
0x37b: {  	s0 =	simm.s32 @!p0 $0x5  }
0x37c: {  	_ =	swait.ge @!p0 [sflag:s0], s1  }
0x37d: {  	s1 =	ssub.s32 @!p0 $0x0, s1;
	[sflag:s0] =	ssyncset.done @!p0 $0x0  }
0x37e: {  	[sflag:s0] =	ssyncadd.s32 @!p0 s1  }
0x37f: {  	[bflag:$0x3] =	sbarrier.arrive $0xFFFF  }
0x380: {  	_ =	shalt  }

</sc_bundles>
